<compile_context>
chip_gen: v7x
topology: tpu7x:2x2x1
jax: 0.10.2.dev20260603
libtpu: 0.0.44.dev20260713+nightly
codegen_flags: <defaults>
</compile_context>

<pallas_src>
import functools

import jax
import jax.numpy as jnp
from jax import lax
from jax.experimental import pallas as pl
from jax.experimental.pallas import tpu as pltpu
from jax.experimental.pallas import tpu_sc as plsc

_NUM_CLASSES = 10
_K = 8
_N = 1024
_D = 16
_M = 100000
_BLK = 128
_CHUNK = 2048
_MPAD = 100352
_NCHUNK = _MPAD // _CHUNK
_NCHUNK_B = _NCHUNK
_CHUNK_B = _CHUNK
_BPC = _CHUNK_B // _BLK
_NBLK = _MPAD // _BLK
_NCAND = _K * _BLK
_NROWS = _N * _K
_BIGF = float(3.0e38)
_BIGI = 2**31 - 1
_PADV = float(1.0e4)


def _dist_a_kernel(x_ref, yt_ref, x2_ref, y2_ref, d_ref):
    mm = jnp.dot(x_ref[...], yt_ref[...], preferred_element_type=jnp.float32)
    d_ref[...] = x2_ref[...] + y2_ref[...] - 2.0 * mm


def _dist_b_kernel(y_ref, xt_ref, y2_ref, x2_ref, b_ref):
    mm = jnp.dot(y_ref[...], xt_ref[...], preferred_element_type=jnp.float32)
    d2 = x2_ref[...] + y2_ref[...] - 2.0 * mm
    b_ref[...] = jnp.min(d2.reshape(_BPC, _BLK, _N), axis=1)


def _select_blocks_kernel(b_ref, out_ref):
    b = jnp.sqrt(jnp.maximum(b_ref[...], 0.0))
    ids = jax.lax.broadcasted_iota(jnp.int32, b.shape, 0)
    rows = []
    for _ in range(_K):
        m = jnp.min(b, axis=0, keepdims=True)
        sel = jnp.min(jnp.where(b == m, ids, _BIGI), axis=0, keepdims=True)
        rows.append(sel)
        b = jnp.where(ids == sel, _BIGF, b)
    out_ref[...] = jnp.concatenate(rows, axis=0)


def _make_sc_gather():
    info = plsc.get_sparse_core_info()
    nw = info.num_cores * info.num_subcores
    gpw = _NROWS // nw
    mesh = plsc.VectorSubcoreMesh(core_axis_name="c", subcore_axis_name="s")

    @functools.partial(
        pl.kernel,
        mesh=mesh,
        out_type=[
            jax.ShapeDtypeStruct((_NROWS, _BLK), jnp.float32),
            jax.ShapeDtypeStruct((_NROWS, _BLK), jnp.int32),
        ],
        scratch_types=[
            pltpu.VMEM((gpw,), jnp.int32),
            pltpu.VMEM((gpw,), jnp.int32),
            pltpu.VMEM((gpw, _BLK), jnp.float32),
            pltpu.VMEM((gpw, _BLK), jnp.int32),
            pltpu.SemaphoreType.DMA,
            pltpu.SemaphoreType.DMA,
        ],
    )
    def sc_gather(d2d_hbm, lab2d_hbm, rq_hbm, blk_hbm, outd_hbm, outl_hbm,
                  idx_v, idx2_v, rows_v, lrows_v, sem1, sem2):
        wid = lax.axis_index("s") * info.num_cores + lax.axis_index("c")
        base = wid * gpw
        pltpu.sync_copy(rq_hbm.at[pl.ds(base, gpw)], idx_v)
        pltpu.sync_copy(blk_hbm.at[pl.ds(base, gpw)], idx2_v)
        cp1 = pltpu.async_copy(d2d_hbm.at[idx_v], rows_v, sem1)
        cp2 = pltpu.async_copy(lab2d_hbm.at[idx2_v], lrows_v, sem2)
        cp1.wait()
        cp2.wait()
        pltpu.sync_copy(rows_v, outd_hbm.at[pl.ds(base, gpw)])
        pltpu.sync_copy(lrows_v, outl_hbm.at[pl.ds(base, gpw)])

    return sc_gather


def _topk_vote_kernel(cd_ref, cg_ref, cl_ref, w_ref):
    d = jnp.sqrt(jnp.maximum(cd_ref[...], 0.0))
    g = cg_ref[...]
    lab = cl_ref[...]
    counts = [jnp.zeros((_N, 1), jnp.int32) for _ in range(_NUM_CLASSES)]
    for _ in range(_K):
        m = jnp.min(d, axis=1, keepdims=True)
        gsel = jnp.min(jnp.where(d == m, g, _BIGI), axis=1, keepdims=True)
        hit = g == gsel
        lsel = jnp.min(jnp.where(hit, lab, _BIGI), axis=1, keepdims=True)
        d = jnp.where(hit, _BIGF, d)
        for c in range(_NUM_CLASSES):
            counts[c] = counts[c] + (lsel == c).astype(jnp.int32)
    winner = jnp.zeros((_N, 1), jnp.int32)
    count = jnp.full((_N, 1), -1, jnp.int32)
    for labv in range(_NUM_CLASSES):
        vc = counts[labv]
        who = vc >= count
        winner = jnp.where(who, labv, winner)
        count = jnp.where(who, vc, count)
    w_ref[...] = winner


def kernel(x, train_pts, train_label):
    f32 = jnp.float32
    ypad = jnp.concatenate(
        [train_pts, jnp.full((_MPAD - _M, _D), _PADV, f32)], axis=0)
    labpad = jnp.concatenate(
        [train_label.astype(jnp.int32),
         jnp.zeros((_MPAD - _M,), jnp.int32)], axis=0)
    x2c = jnp.sum(x * x, axis=1, keepdims=True)
    y2r = jnp.sum(ypad * ypad, axis=1)[None, :]
    yt = ypad.T
    xt = x.T
    x2r = x2c.T
    y2c = y2r.T

    dist = pl.pallas_call(
        _dist_a_kernel,
        grid=(_NCHUNK,),
        in_specs=[
            pl.BlockSpec((_N, _D), lambda i: (0, 0)),
            pl.BlockSpec((_D, _CHUNK), lambda i: (0, i)),
            pl.BlockSpec((_N, 1), lambda i: (0, 0)),
            pl.BlockSpec((1, _CHUNK), lambda i: (0, i)),
        ],
        out_specs=pl.BlockSpec((_N, _CHUNK), lambda i: (0, i)),
        out_shape=jax.ShapeDtypeStruct((_N, _MPAD), f32),
    )(x, yt, x2c, y2r)

    bmin = pl.pallas_call(
        _dist_b_kernel,
        grid=(_NCHUNK_B,),
        in_specs=[
            pl.BlockSpec((_CHUNK_B, _D), lambda i: (i, 0)),
            pl.BlockSpec((_D, _N), lambda i: (0, 0)),
            pl.BlockSpec((_CHUNK_B, 1), lambda i: (i, 0)),
            pl.BlockSpec((1, _N), lambda i: (0, 0)),
        ],
        out_specs=pl.BlockSpec((_BPC, _N), lambda i: (i, 0)),
        out_shape=jax.ShapeDtypeStruct((_NBLK, _N), f32),
    )(ypad, xt, y2c, x2r)

    blk8 = pl.pallas_call(
        _select_blocks_kernel,
        out_shape=jax.ShapeDtypeStruct((_K, _N), jnp.int32),
    )(bmin)

    blk8t = blk8.T
    rq = (jnp.arange(_N, dtype=jnp.int32)[:, None] * _NBLK
          + blk8t).reshape(_NROWS)
    blkflat = blk8t.reshape(_NROWS)

    cand_d2, cand_l2 = _make_sc_gather()(
        dist.reshape(_N * _NBLK, _BLK),
        labpad.reshape(_NBLK, _BLK),
        rq,
        blkflat,
    )
    cand_d = cand_d2.reshape(_N, _NCAND)
    cand_l = cand_l2.reshape(_N, _NCAND)
    pid = (blk8t[:, :, None] * _BLK
           + jnp.arange(_BLK, dtype=jnp.int32)[None, None, :]).reshape(
               _N, _NCAND)

    winner = pl.pallas_call(
        _topk_vote_kernel,
        out_shape=jax.ShapeDtypeStruct((_N, 1), jnp.int32),
    )(cand_d, pid, cand_l)

    return winner[:, 0].astype(train_label.dtype)

# --- scband reference (transcript-rebuilt; emitter-appended) ---
"""Pipeline reference for scband-knn-34119220199994 (READ-ONLY COPY).

The authoritative reference and input builder live on the scoring server;
editing this copy changes nothing except your own understanding.
"""

import jax, jax.numpy as jnp
import numpy as np

NUM_CLASSES = 10
TOP_K = 8


def setup_inputs(seed: int = 0) -> dict:
    key = jax.random.key(seed)
    k1, k2, k3 = jax.random.split(key, 3)
    x = jax.random.normal(k1, (1024, 16), dtype=jnp.float32)
    train_pts = jax.random.normal(k2, (100000, 16), dtype=jnp.float32)
    train_label = jax.random.randint(k3, (100000,), 0, NUM_CLASSES)
    return {"x": x, "train_pts": train_pts, "train_label": train_label}


def reference(x, train_pts, train_label):
    # Pairwise euclidean distance: ||x - y||_2 (same math as expand+pow+sum+sqrt,
    # computed via the algebraically identical dot-product expansion to avoid
    # materializing the [n, m, d] intermediate).
    x2 = jnp.sum(x * x, axis=1, keepdims=True)            # [n, 1]
    y2 = jnp.sum(train_pts * train_pts, axis=1)[None, :]  # [1, m]
    d2 = x2 + y2 - 2.0 * (x @ train_pts.T)                # [n, m]
    dist = jnp.sqrt(jnp.maximum(d2, 0.0))
    # topk smallest distances
    _, knn_idx = jax.lax.top_k(-dist, TOP_K)              # [n, k]
    votes = jnp.take(train_label, knn_idx, axis=0)        # [n, k]
    winner = jnp.zeros((votes.shape[0],), dtype=votes.dtype)
    count = jnp.zeros((votes.shape[0],), dtype=votes.dtype) - 1
    # torch.unique returns sorted labels; labels are drawn from range(NUM_CLASSES)
    for lab in range(NUM_CLASSES):
        vote_count = jnp.sum((votes == lab).astype(votes.dtype), axis=1)
        who = vote_count >= count
        winner = jnp.where(who, jnp.asarray(lab, dtype=votes.dtype), winner)
        count = jnp.where(who, vote_count, count)
    return winner

if __name__ == "__main__":
    import jax
    _d = setup_inputs()
    print(jax.jit(kernel)(*tuple(_d.values())))

</pallas_src>

<mosaic_0001>
#map = affine_map<(d0, d1) -> (0, 0)>
#map1 = affine_map<(d0, d1) -> (0)>
module attributes {stable_mosaic.version = 14 : i64} {
  func.func @sc_gather(%arg0: i32, %arg1: i32, %arg2: memref<802816x128xf32, #tpu.memory_space<hbm>>, %arg3: memref<784x128xi32, #tpu.memory_space<hbm>>, %arg4: memref<8192xi32, #tpu.memory_space<hbm>>, %arg5: memref<8192xi32, #tpu.memory_space<hbm>>, %arg6: memref<8192x128xf32, #tpu.memory_space<hbm>>, %arg7: memref<8192x128xi32, #tpu.memory_space<hbm>>, %arg8: memref<256xi32, #tpu.memory_space<vmem>>, %arg9: memref<256xi32, #tpu.memory_space<vmem>>, %arg10: memref<256x128xf32, #tpu.memory_space<vmem>>, %arg11: memref<256x128xi32, #tpu.memory_space<vmem>>, %arg12: memref<!tpu.dma_semaphore, #tpu.memory_space<semaphore_mem>>, %arg13: memref<!tpu.dma_semaphore, #tpu.memory_space<semaphore_mem>>) attributes {dimension_semantics = [#tpu.dimension_semantics<core_parallel>, #tpu.dimension_semantics<subcore_parallel>], iteration_bounds = array<i64: 2, 16>, scalar_prefetch = 0 : i64, scratch_operands = 6 : i64, tpu.core_type = #tpu.core_type<sc_vector_subcore>, window_params = [{transform_indices = #map}, {transform_indices = #map}, {transform_indices = #map1}, {transform_indices = #map1}, {transform_indices = #map}, {transform_indices = #map}]} {
    %mul3A = arith.constant 2 : i32
    %mul3A_0 = arith.muli %arg1, %mul3A : i32
    %add3A = arith.addi %mul3A_0, %arg0 : i32
    %mul3A_1 = arith.constant 256 : i32
    %mul3A_2 = arith.muli %add3A, %mul3A_1 : i32
    "tpu.region"() ({
      %run_scoped3A = tpu.sem_alloc : memref<!tpu.dma_semaphore, #tpu.memory_space<semaphore_mem>>
      %dma_start3A_13 = tpu.memref_slice %arg4[%mul3A_2] : memref<8192xi32, #tpu.memory_space<hbm>> -> memref<256xi32, #tpu.memory_space<hbm>>
      %dma_start3A_14 = tpu.memref_slice %arg4[%mul3A_2] : memref<8192xi32, #tpu.memory_space<hbm>> -> memref<256xi32, #tpu.memory_space<hbm>>
      tpu.enqueue_dma source(%dma_start3A_14 : memref<256xi32, #tpu.memory_space<hbm>>) target(%arg8 : memref<256xi32, #tpu.memory_space<vmem>>) target_semaphore(%run_scoped3A : memref<!tpu.dma_semaphore, #tpu.memory_space<semaphore_mem>>)
      %dma_wait3A_15 = tpu.memref_slice %arg4[%mul3A_2] : memref<8192xi32, #tpu.memory_space<hbm>> -> memref<256xi32, #tpu.memory_space<hbm>>
      %dma_wait3A_16 = tpu.memref_slice %arg4[%mul3A_2] : memref<8192xi32, #tpu.memory_space<hbm>> -> memref<256xi32, #tpu.memory_space<hbm>>
      tpu.wait_dma2 semaphore(%run_scoped3A : memref<!tpu.dma_semaphore, #tpu.memory_space<semaphore_mem>>) src(%dma_wait3A_16 : memref<256xi32, #tpu.memory_space<hbm>>) dst(%arg8 : memref<256xi32, #tpu.memory_space<vmem>>)
      tpu.yield
    }) : () -> ()
    "tpu.region"() ({
      %run_scoped3A = tpu.sem_alloc : memref<!tpu.dma_semaphore, #tpu.memory_space<semaphore_mem>>
      %dma_start3A_13 = tpu.memref_slice %arg5[%mul3A_2] : memref<8192xi32, #tpu.memory_space<hbm>> -> memref<256xi32, #tpu.memory_space<hbm>>
      %dma_start3A_14 = tpu.memref_slice %arg5[%mul3A_2] : memref<8192xi32, #tpu.memory_space<hbm>> -> memref<256xi32, #tpu.memory_space<hbm>>
      tpu.enqueue_dma source(%dma_start3A_14 : memref<256xi32, #tpu.memory_space<hbm>>) target(%arg9 : memref<256xi32, #tpu.memory_space<vmem>>) target_semaphore(%run_scoped3A : memref<!tpu.dma_semaphore, #tpu.memory_space<semaphore_mem>>)
      %dma_wait3A_15 = tpu.memref_slice %arg5[%mul3A_2] : memref<8192xi32, #tpu.memory_space<hbm>> -> memref<256xi32, #tpu.memory_space<hbm>>
      %dma_wait3A_16 = tpu.memref_slice %arg5[%mul3A_2] : memref<8192xi32, #tpu.memory_space<hbm>> -> memref<256xi32, #tpu.memory_space<hbm>>
      tpu.wait_dma2 semaphore(%run_scoped3A : memref<!tpu.dma_semaphore, #tpu.memory_space<semaphore_mem>>) src(%dma_wait3A_16 : memref<256xi32, #tpu.memory_space<hbm>>) dst(%arg9 : memref<256xi32, #tpu.memory_space<vmem>>)
      tpu.yield
    }) : () -> ()
    %dma_start3A = arith.constant 0 : i32
    %dma_start3A_3 = arith.constant 0 : i32
    %dma_start3A_4 = tpu.memref_slice %arg2[%dma_start3A, %dma_start3A_3] : memref<802816x128xf32, #tpu.memory_space<hbm>> -> memref<802816x128xf32, #tpu.memory_space<hbm>>
    tpu.enqueue_indirect_dma source(%dma_start3A_4 : memref<802816x128xf32, #tpu.memory_space<hbm>>) target(%arg10 : memref<256x128xf32, #tpu.memory_space<vmem>>) offsets(%arg8 : memref<256xi32, #tpu.memory_space<vmem>>) semaphore(%arg12 : memref<!tpu.dma_semaphore, #tpu.memory_space<semaphore_mem>>)
    %dma_start3A_5 = arith.constant 0 : i32
    %dma_start3A_6 = arith.constant 0 : i32
    %dma_start3A_7 = tpu.memref_slice %arg3[%dma_start3A_5, %dma_start3A_6] : memref<784x128xi32, #tpu.memory_space<hbm>> -> memref<784x128xi32, #tpu.memory_space<hbm>>
    tpu.enqueue_indirect_dma source(%dma_start3A_7 : memref<784x128xi32, #tpu.memory_space<hbm>>) target(%arg11 : memref<256x128xi32, #tpu.memory_space<vmem>>) offsets(%arg9 : memref<256xi32, #tpu.memory_space<vmem>>) semaphore(%arg13 : memref<!tpu.dma_semaphore, #tpu.memory_space<semaphore_mem>>)
    %dma_wait3A = arith.constant 0 : i32
    %dma_wait3A_8 = arith.constant 0 : i32
    %dma_wait3A_9 = tpu.memref_slice %arg2[%dma_wait3A, %dma_wait3A_8] : memref<802816x128xf32, #tpu.memory_space<hbm>> -> memref<802816x128xf32, #tpu.memory_space<hbm>>
    tpu.wait_indirect_dma semaphore(%arg12 : memref<!tpu.dma_semaphore, #tpu.memory_space<semaphore_mem>>) src(%dma_wait3A_9 : memref<802816x128xf32, #tpu.memory_space<hbm>>) dst(%arg10 : memref<256x128xf32, #tpu.memory_space<vmem>>)
    %dma_wait3A_10 = arith.constant 0 : i32
    %dma_wait3A_11 = arith.constant 0 : i32
    %dma_wait3A_12 = tpu.memref_slice %arg3[%dma_wait3A_10, %dma_wait3A_11] : memref<784x128xi32, #tpu.memory_space<hbm>> -> memref<784x128xi32, #tpu.memory_space<hbm>>
    tpu.wait_indirect_dma semaphore(%arg13 : memref<!tpu.dma_semaphore, #tpu.memory_space<semaphore_mem>>) src(%dma_wait3A_12 : memref<784x128xi32, #tpu.memory_space<hbm>>) dst(%arg11 : memref<256x128xi32, #tpu.memory_space<vmem>>)
    "tpu.region"() ({
      %run_scoped3A = tpu.sem_alloc : memref<!tpu.dma_semaphore, #tpu.memory_space<semaphore_mem>>
      %dma_start3A_13 = arith.constant 0 : i32
      %dma_start3A_14 = tpu.memref_slice %arg6[%mul3A_2, %dma_start3A_13] : memref<8192x128xf32, #tpu.memory_space<hbm>> -> memref<256x128xf32, #tpu.memory_space<hbm>>
      %dma_start3A_15 = arith.constant 0 : i32
      %dma_start3A_16 = tpu.memref_slice %arg6[%mul3A_2, %dma_start3A_15] : memref<8192x128xf32, #tpu.memory_space<hbm>> -> memref<256x128xf32, #tpu.memory_space<hbm>>
      tpu.enqueue_dma source(%arg10 : memref<256x128xf32, #tpu.memory_space<vmem>>) target(%dma_start3A_16 : memref<256x128xf32, #tpu.memory_space<hbm>>) target_semaphore(%run_scoped3A : memref<!tpu.dma_semaphore, #tpu.memory_space<semaphore_mem>>)
      %dma_wait3A_17 = arith.constant 0 : i32
      %dma_wait3A_18 = tpu.memref_slice %arg6[%mul3A_2, %dma_wait3A_17] : memref<8192x128xf32, #tpu.memory_space<hbm>> -> memref<256x128xf32, #tpu.memory_space<hbm>>
      %dma_wait3A_19 = arith.constant 0 : i32
      %dma_wait3A_20 = tpu.memref_slice %arg6[%mul3A_2, %dma_wait3A_19] : memref<8192x128xf32, #tpu.memory_space<hbm>> -> memref<256x128xf32, #tpu.memory_space<hbm>>
      tpu.wait_dma2 semaphore(%run_scoped3A : memref<!tpu.dma_semaphore, #tpu.memory_space<semaphore_mem>>) src(%arg10 : memref<256x128xf32, #tpu.memory_space<vmem>>) dst(%dma_wait3A_20 : memref<256x128xf32, #tpu.memory_space<hbm>>)
      tpu.yield
    }) : () -> ()
    "tpu.region"() ({
      %run_scoped3A = tpu.sem_alloc : memref<!tpu.dma_semaphore, #tpu.memory_space<semaphore_mem>>
      %dma_start3A_13 = arith.constant 0 : i32
      %dma_start3A_14 = tpu.memref_slice %arg7[%mul3A_2, %dma_start3A_13] : memref<8192x128xi32, #tpu.memory_space<hbm>> -> memref<256x128xi32, #tpu.memory_space<hbm>>
      %dma_start3A_15 = arith.constant 0 : i32
      %dma_start3A_16 = tpu.memref_slice %arg7[%mul3A_2, %dma_start3A_15] : memref<8192x128xi32, #tpu.memory_space<hbm>> -> memref<256x128xi32, #tpu.memory_space<hbm>>
      tpu.enqueue_dma source(%arg11 : memref<256x128xi32, #tpu.memory_space<vmem>>) target(%dma_start3A_16 : memref<256x128xi32, #tpu.memory_space<hbm>>) target_semaphore(%run_scoped3A : memref<!tpu.dma_semaphore, #tpu.memory_space<semaphore_mem>>)
      %dma_wait3A_17 = arith.constant 0 : i32
      %dma_wait3A_18 = tpu.memref_slice %arg7[%mul3A_2, %dma_wait3A_17] : memref<8192x128xi32, #tpu.memory_space<hbm>> -> memref<256x128xi32, #tpu.memory_space<hbm>>
      %dma_wait3A_19 = arith.constant 0 : i32
      %dma_wait3A_20 = tpu.memref_slice %arg7[%mul3A_2, %dma_wait3A_19] : memref<8192x128xi32, #tpu.memory_space<hbm>> -> memref<256x128xi32, #tpu.memory_space<hbm>>
      tpu.wait_dma2 semaphore(%run_scoped3A : memref<!tpu.dma_semaphore, #tpu.memory_space<semaphore_mem>>) src(%arg11 : memref<256x128xi32, #tpu.memory_space<vmem>>) dst(%dma_wait3A_20 : memref<256x128xi32, #tpu.memory_space<hbm>>)
      tpu.yield
    }) : () -> ()
    return
  }
}

module attributes {stable_mosaic.version = 14 : i64} {
  func.func @_dist_b_kernel(%arg0: i32, %arg1: memref<2048x16xf32, #tpu.memory_space<vmem>>, %arg2: memref<16x1024xf32, #tpu.memory_space<vmem>>, %arg3: memref<2048x1xf32, #tpu.memory_space<vmem>>, %arg4: memref<1x1024xf32, #tpu.memory_space<vmem>>, %arg5: memref<16x1024xf32, #tpu.memory_space<vmem>>) attributes {dimension_semantics = [#tpu.dimension_semantics<arbitrary>], iteration_bounds = array<i64: 49>, scalar_prefetch = 0 : i64, scratch_operands = 0 : i64, tpu.core_type = #tpu.core_type<tc>, window_params = [{transform_indices = @transform_0, window_bounds = array<i64: 2048, 16>}, {pipeline_mode = #tpu.pipeline_mode<synchronous>, transform_indices = @transform_1, window_bounds = array<i64: 16, 1024>}, {transform_indices = @transform_2, window_bounds = array<i64: 2048, 1>}, {pipeline_mode = #tpu.pipeline_mode<synchronous>, transform_indices = @transform_3, window_bounds = array<i64: 1, 1024>}, {transform_indices = @transform_4, window_bounds = array<i64: 16, 1024>}]} {
    %get3A = arith.constant 0 : index
    %get3A_0 = arith.constant 0 : index
    %get3A_1 = vector.load %arg1[%get3A, %get3A_0] : memref<2048x16xf32, #tpu.memory_space<vmem>>, vector<2048x16xf32>
    %get3A_2 = arith.constant 0 : index
    %get3A_3 = arith.constant 0 : index
    %get3A_4 = vector.load %arg2[%get3A_2, %get3A_3] : memref<16x1024xf32, #tpu.memory_space<vmem>>, vector<16x1024xf32>
    %dot_general3A = arith.constant dense<0.000000e+00> : vector<2048x1024xf32>
    %dot_general3A_5 = tpu.matmul %get3A_1, %get3A_4, %dot_general3A {dimension_numbers = #tpu.dot_dimension_numbers<[1], [0], [0], [1], [0, 0, 1, 1], [], []>, transpose_lhs_hint = false} : vector<2048x16xf32>, vector<16x1024xf32>, vector<2048x1024xf32> -> vector<2048x1024xf32>
    %get3A_6 = arith.constant 0 : index
    %get3A_7 = arith.constant 0 : index
    %get3A_8 = vector.load %arg4[%get3A_6, %get3A_7] : memref<1x1024xf32, #tpu.memory_space<vmem>>, vector<1x1024xf32>
    %get3A_9 = arith.constant 0 : index
    %get3A_10 = arith.constant 0 : index
    %get3A_11 = vector.load %arg3[%get3A_9, %get3A_10] : memref<2048x1xf32, #tpu.memory_space<vmem>>, vector<2048x1xf32>
    %add3A = vector.broadcast %get3A_8 : vector<1x1024xf32> to vector<2048x1024xf32>
    %add3A_12 = vector.broadcast %get3A_11 : vector<2048x1xf32> to vector<2048x1024xf32>
    %add3A_13 = arith.addf %add3A, %add3A_12 : vector<2048x1024xf32>
    %mul3A = arith.constant 2.000000e+00 : f32
    %mul3A_14 = vector.broadcast %mul3A : f32 to vector<2048x1024xf32>
    %mul3A_15 = arith.mulf %mul3A_14, %dot_general3A_5 : vector<2048x1024xf32>
    %sub3A = arith.subf %add3A_13, %mul3A_15 : vector<2048x1024xf32>
    %reshape3A = vector.shape_cast %sub3A : vector<2048x1024xf32> to vector<16x128x1024xf32>
    %reduce_min3A = arith.constant dense<0x7F800000> : vector<16x1024xf32>
    %reduce_min3A_16 = vector.multi_reduction <minimumf>, %reshape3A, %reduce_min3A [1] : vector<16x128x1024xf32> to vector<16x1024xf32>
    %swap3A = arith.constant 0 : index
    %swap3A_17 = arith.constant 0 : index
    %swap3A_18 = vector.load %arg5[%swap3A, %swap3A_17] : memref<16x1024xf32, #tpu.memory_space<vmem>>, vector<16x1024xf32>
    tpu.vector_store %arg5[%swap3A, %swap3A_17], %reduce_min3A_16 {strides = array<i32>} : memref<16x1024xf32, #tpu.memory_space<vmem>>, vector<16x1024xf32>,
    return
  }
  func.func @transform_0(%arg0: i32) -> (i32, i32) {
    %c0_i32 = arith.constant 0 : i32
    %c0_i32_0 = arith.constant 0 : i32
    return %arg0, %c0_i32 : i32, i32
  }
  func.func @transform_1(%arg0: i32) -> (i32, i32) {
    %c0_i32 = arith.constant 0 : i32
    %c0_i32_0 = arith.constant 0 : i32
    %c0_i32_1 = arith.constant 0 : i32
    return %c0_i32, %c0_i32_0 : i32, i32
  }
  func.func @transform_2(%arg0: i32) -> (i32, i32) {
    %c0_i32 = arith.constant 0 : i32
    %c0_i32_0 = arith.constant 0 : i32
    return %arg0, %c0_i32 : i32, i32
  }
  func.func @transform_3(%arg0: i32) -> (i32, i32) {
    %c0_i32 = arith.constant 0 : i32
    %c0_i32_0 = arith.constant 0 : i32
    %c0_i32_1 = arith.constant 0 : i32
    return %c0_i32, %c0_i32_0 : i32, i32
  }
  func.func @transform_4(%arg0: i32) -> (i32, i32) {
    %c0_i32 = arith.constant 0 : i32
    %c0_i32_0 = arith.constant 0 : i32
    return %arg0, %c0_i32 : i32, i32
  }
}

module attributes {stable_mosaic.version = 14 : i64} {
  func.func @_select_blocks_kernel(%arg0: memref<784x1024xf32, #tpu.memory_space<vmem>>, %arg1: memref<8x1024xi32, #tpu.memory_space<vmem>>) attributes {dimension_semantics = [], scalar_prefetch = 0 : i64, scratch_operands = 0 : i64, tpu.core_type = #tpu.core_type<tc>} {
    %get3A = arith.constant 0 : index
    %get3A_0 = arith.constant 0 : index
    %get3A_1 = vector.load %arg0[%get3A, %get3A_0] : memref<784x1024xf32, #tpu.memory_space<vmem>>, vector<784x1024xf32>
    %max3A = arith.constant 0.000000e+00 : f32
    %max3A_2 = vector.broadcast %max3A : f32 to vector<784x1024xf32>
    %max3A_3 = arith.maximumf %get3A_1, %max3A_2 : vector<784x1024xf32>
    %sqrt3A = math.sqrt %max3A_3 : vector<784x1024xf32>
    %iota3A = tpu.iota {dimensions = array<i32: 0>} : vector<784x1024xi32>
    %reduce_min3A = arith.constant dense<0x7F800000> : vector<1024xf32>
    %reduce_min3A_4 = vector.multi_reduction <minimumf>, %sqrt3A, %reduce_min3A [0] : vector<784x1024xf32> to vector<1024xf32>
    %broadcast_in_dim3A = vector.shape_cast %reduce_min3A_4 : vector<1024xf32> to vector<1x1024xf32>
    %eq3A = vector.broadcast %broadcast_in_dim3A : vector<1x1024xf32> to vector<784x1024xf32>
    %eq3A_5 = arith.cmpf oeq, %sqrt3A, %eq3A : vector<784x1024xf32>
    %jit3A = arith.constant 2147483647 : i32
    %broadcast_in_dim3A_6 = vector.broadcast %jit3A : i32 to vector<784x1024xi32>
    %select_n3A = arith.select %eq3A_5, %iota3A, %broadcast_in_dim3A_6 : vector<784x1024xi1>, vector<784x1024xi32>
    %reduce_min3A_7 = arith.constant dense<2147483647> : vector<1024xi32>
    %reduce_min3A_8 = vector.multi_reduction <minsi>, %select_n3A, %reduce_min3A_7 [0] : vector<784x1024xi32> to vector<1024xi32>
    %broadcast_in_dim3A_9 = vector.shape_cast %reduce_min3A_8 : vector<1024xi32> to vector<1x1024xi32>
    %eq3A_10 = vector.broadcast %broadcast_in_dim3A_9 : vector<1x1024xi32> to vector<784x1024xi32>
    %eq3A_11 = arith.cmpi eq, %iota3A, %eq3A_10 : vector<784x1024xi32>
    %jit3A_12 = arith.constant 3.000000e+38 : f32
    %broadcast_in_dim3A_13 = vector.broadcast %jit3A_12 : f32 to vector<784x1024xf32>
    %select_n3A_14 = arith.select %eq3A_11, %broadcast_in_dim3A_13, %sqrt3A : vector<784x1024xi1>, vector<784x1024xf32>
    %reduce_min3A_15 = arith.constant dense<0x7F800000> : vector<1024xf32>
    %reduce_min3A_16 = vector.multi_reduction <minimumf>, %select_n3A_14, %reduce_min3A_15 [0] : vector<784x1024xf32> to vector<1024xf32>
    %broadcast_in_dim3A_17 = vector.shape_cast %reduce_min3A_16 : vector<1024xf32> to vector<1x1024xf32>
    %eq3A_18 = vector.broadcast %broadcast_in_dim3A_17 : vector<1x1024xf32> to vector<784x1024xf32>
    %eq3A_19 = arith.cmpf oeq, %select_n3A_14, %eq3A_18 : vector<784x1024xf32>
    %jit3A_20 = arith.constant 2147483647 : i32
    %broadcast_in_dim3A_21 = vector.broadcast %jit3A_20 : i32 to vector<784x1024xi32>
    %select_n3A_22 = arith.select %eq3A_19, %iota3A, %broadcast_in_dim3A_21 : vector<784x1024xi1>, vector<784x1024xi32>
    %reduce_min3A_23 = arith.constant dense<2147483647> : vector<1024xi32>
    %reduce_min3A_24 = vector.multi_reduction <minsi>, %select_n3A_22, %reduce_min3A_23 [0] : vector<784x1024xi32> to vector<1024xi32>
    %broadcast_in_dim3A_25 = vector.shape_cast %reduce_min3A_24 : vector<1024xi32> to vector<1x1024xi32>
    %eq3A_26 = vector.broadcast %broadcast_in_dim3A_25 : vector<1x1024xi32> to vector<784x1024xi32>
    %eq3A_27 = arith.cmpi eq, %iota3A, %eq3A_26 : vector<784x1024xi32>
    %jit3A_28 = arith.constant 3.000000e+38 : f32
    %broadcast_in_dim3A_29 = vector.broadcast %jit3A_28 : f32 to vector<784x1024xf32>
    %select_n3A_30 = arith.select %eq3A_27, %broadcast_in_dim3A_29, %select_n3A_14 : vector<784x1024xi1>, vector<784x1024xf32>
    %reduce_min3A_31 = arith.constant dense<0x7F800000> : vector<1024xf32>
    %reduce_min3A_32 = vector.multi_reduction <minimumf>, %select_n3A_30, %reduce_min3A_31 [0] : vector<784x1024xf32> to vector<1024xf32>
    %broadcast_in_dim3A_33 = vector.shape_cast %reduce_min3A_32 : vector<1024xf32> to vector<1x1024xf32>
    %eq3A_34 = vector.broadcast %broadcast_in_dim3A_33 : vector<1x1024xf32> to vector<784x1024xf32>
    %eq3A_35 = arith.cmpf oeq, %select_n3A_30, %eq3A_34 : vector<784x1024xf32>
    %jit3A_36 = arith.constant 2147483647 : i32
    %broadcast_in_dim3A_37 = vector.broadcast %jit3A_36 : i32 to vector<784x1024xi32>
    %select_n3A_38 = arith.select %eq3A_35, %iota3A, %broadcast_in_dim3A_37 : vector<784x1024xi1>, vector<784x1024xi32>
    %reduce_min3A_39 = arith.constant dense<2147483647> : vector<1024xi32>
    %reduce_min3A_40 = vector.multi_reduction <minsi>, %select_n3A_38, %reduce_min3A_39 [0] : vector<784x1024xi32> to vector<1024xi32>
    %broadcast_in_dim3A_41 = vector.shape_cast %reduce_min3A_40 : vector<1024xi32> to vector<1x1024xi32>
    %eq3A_42 = vector.broadcast %broadcast_in_dim3A_41 : vector<1x1024xi32> to vector<784x1024xi32>
    %eq3A_43 = arith.cmpi eq, %iota3A, %eq3A_42 : vector<784x1024xi32>
    %jit3A_44 = arith.constant 3.000000e+38 : f32
    %broadcast_in_dim3A_45 = vector.broadcast %jit3A_44 : f32 to vector<784x1024xf32>
    %select_n3A_46 = arith.select %eq3A_43, %broadcast_in_dim3A_45, %select_n3A_30 : vector<784x1024xi1>, vector<784x1024xf32>
    %reduce_min3A_47 = arith.constant dense<0x7F800000> : vector<1024xf32>
    %reduce_min3A_48 = vector.multi_reduction <minimumf>, %select_n3A_46, %reduce_min3A_47 [0] : vector<784x1024xf32> to vector<1024xf32>
    %broadcast_in_dim3A_49 = vector.shape_cast %reduce_min3A_48 : vector<1024xf32> to vector<1x1024xf32>
    %eq3A_50 = vector.broadcast %broadcast_in_dim3A_49 : vector<1x1024xf32> to vector<784x1024xf32>
    %eq3A_51 = arith.cmpf oeq, %select_n3A_46, %eq3A_50 : vector<784x1024xf32>
    %jit3A_52 = arith.constant 2147483647 : i32
    %broadcast_in_dim3A_53 = vector.broadcast %jit3A_52 : i32 to vector<784x1024xi32>
    %select_n3A_54 = arith.select %eq3A_51, %iota3A, %broadcast_in_dim3A_53 : vector<784x1024xi1>, vector<784x1024xi32>
    %reduce_min3A_55 = arith.constant dense<2147483647> : vector<1024xi32>
    %reduce_min3A_56 = vector.multi_reduction <minsi>, %select_n3A_54, %reduce_min3A_55 [0] : vector<784x1024xi32> to vector<1024xi32>
    %broadcast_in_dim3A_57 = vector.shape_cast %reduce_min3A_56 : vector<1024xi32> to vector<1x1024xi32>
    %eq3A_58 = vector.broadcast %broadcast_in_dim3A_57 : vector<1x1024xi32> to vector<784x1024xi32>
    %eq3A_59 = arith.cmpi eq, %iota3A, %eq3A_58 : vector<784x1024xi32>
    %jit3A_60 = arith.constant 3.000000e+38 : f32
    %broadcast_in_dim3A_61 = vector.broadcast %jit3A_60 : f32 to vector<784x1024xf32>
    %select_n3A_62 = arith.select %eq3A_59, %broadcast_in_dim3A_61, %select_n3A_46 : vector<784x1024xi1>, vector<784x1024xf32>
    %reduce_min3A_63 = arith.constant dense<0x7F800000> : vector<1024xf32>
    %reduce_min3A_64 = vector.multi_reduction <minimumf>, %select_n3A_62, %reduce_min3A_63 [0] : vector<784x1024xf32> to vector<1024xf32>
    %broadcast_in_dim3A_65 = vector.shape_cast %reduce_min3A_64 : vector<1024xf32> to vector<1x1024xf32>
    %eq3A_66 = vector.broadcast %broadcast_in_dim3A_65 : vector<1x1024xf32> to vector<784x1024xf32>
    %eq3A_67 = arith.cmpf oeq, %select_n3A_62, %eq3A_66 : vector<784x1024xf32>
    %jit3A_68 = arith.constant 2147483647 : i32
    %broadcast_in_dim3A_69 = vector.broadcast %jit3A_68 : i32 to vector<784x1024xi32>
    %select_n3A_70 = arith.select %eq3A_67, %iota3A, %broadcast_in_dim3A_69 : vector<784x1024xi1>, vector<784x1024xi32>
    %reduce_min3A_71 = arith.constant dense<2147483647> : vector<1024xi32>
    %reduce_min3A_72 = vector.multi_reduction <minsi>, %select_n3A_70, %reduce_min3A_71 [0] : vector<784x1024xi32> to vector<1024xi32>
    %broadcast_in_dim3A_73 = vector.shape_cast %reduce_min3A_72 : vector<1024xi32> to vector<1x1024xi32>
    %eq3A_74 = vector.broadcast %broadcast_in_dim3A_73 : vector<1x1024xi32> to vector<784x1024xi32>
    %eq3A_75 = arith.cmpi eq, %iota3A, %eq3A_74 : vector<784x1024xi32>
    %jit3A_76 = arith.constant 3.000000e+38 : f32
    %broadcast_in_dim3A_77 = vector.broadcast %jit3A_76 : f32 to vector<784x1024xf32>
    %select_n3A_78 = arith.select %eq3A_75, %broadcast_in_dim3A_77, %select_n3A_62 : vector<784x1024xi1>, vector<784x1024xf32>
    %reduce_min3A_79 = arith.constant dense<0x7F800000> : vector<1024xf32>
    %reduce_min3A_80 = vector.multi_reduction <minimumf>, %select_n3A_78, %reduce_min3A_79 [0] : vector<784x1024xf32> to vector<1024xf32>
    %broadcast_in_dim3A_81 = vector.shape_cast %reduce_min3A_80 : vector<1024xf32> to vector<1x1024xf32>
    %eq3A_82 = vector.broadcast %broadcast_in_dim3A_81 : vector<1x1024xf32> to vector<784x1024xf32>
    %eq3A_83 = arith.cmpf oeq, %select_n3A_78, %eq3A_82 : vector<784x1024xf32>
    %jit3A_84 = arith.constant 2147483647 : i32
    %broadcast_in_dim3A_85 = vector.broadcast %jit3A_84 : i32 to vector<784x1024xi32>
    %select_n3A_86 = arith.select %eq3A_83, %iota3A, %broadcast_in_dim3A_85 : vector<784x1024xi1>, vector<784x1024xi32>
    %reduce_min3A_87 = arith.constant dense<2147483647> : vector<1024xi32>
    %reduce_min3A_88 = vector.multi_reduction <minsi>, %select_n3A_86, %reduce_min3A_87 [0] : vector<784x1024xi32> to vector<1024xi32>
    %broadcast_in_dim3A_89 = vector.shape_cast %reduce_min3A_88 : vector<1024xi32> to vector<1x1024xi32>
    %eq3A_90 = vector.broadcast %broadcast_in_dim3A_89 : vector<1x1024xi32> to vector<784x1024xi32>
    %eq3A_91 = arith.cmpi eq, %iota3A, %eq3A_90 : vector<784x1024xi32>
    %jit3A_92 = arith.constant 3.000000e+38 : f32
    %broadcast_in_dim3A_93 = vector.broadcast %jit3A_92 : f32 to vector<784x1024xf32>
    %select_n3A_94 = arith.select %eq3A_91, %broadcast_in_dim3A_93, %select_n3A_78 : vector<784x1024xi1>, vector<784x1024xf32>
    %reduce_min3A_95 = arith.constant dense<0x7F800000> : vector<1024xf32>
    %reduce_min3A_96 = vector.multi_reduction <minimumf>, %select_n3A_94, %reduce_min3A_95 [0] : vector<784x1024xf32> to vector<1024xf32>
    %broadcast_in_dim3A_97 = vector.shape_cast %reduce_min3A_96 : vector<1024xf32> to vector<1x1024xf32>
    %eq3A_98 = vector.broadcast %broadcast_in_dim3A_97 : vector<1x1024xf32> to vector<784x1024xf32>
    %eq3A_99 = arith.cmpf oeq, %select_n3A_94, %eq3A_98 : vector<784x1024xf32>
    %jit3A_100 = arith.constant 2147483647 : i32
    %broadcast_in_dim3A_101 = vector.broadcast %jit3A_100 : i32 to vector<784x1024xi32>
    %select_n3A_102 = arith.select %eq3A_99, %iota3A, %broadcast_in_dim3A_101 : vector<784x1024xi1>, vector<784x1024xi32>
    %reduce_min3A_103 = arith.constant dense<2147483647> : vector<1024xi32>
    %reduce_min3A_104 = vector.multi_reduction <minsi>, %select_n3A_102, %reduce_min3A_103 [0] : vector<784x1024xi32> to vector<1024xi32>
    %broadcast_in_dim3A_105 = vector.shape_cast %reduce_min3A_104 : vector<1024xi32> to vector<1x1024xi32>
    %eq3A_106 = vector.broadcast %broadcast_in_dim3A_105 : vector<1x1024xi32> to vector<784x1024xi32>
    %eq3A_107 = arith.cmpi eq, %iota3A, %eq3A_106 : vector<784x1024xi32>
    %jit3A_108 = arith.constant 3.000000e+38 : f32
    %broadcast_in_dim3A_109 = vector.broadcast %jit3A_108 : f32 to vector<784x1024xf32>
    %select_n3A_110 = arith.select %eq3A_107, %broadcast_in_dim3A_109, %select_n3A_94 : vector<784x1024xi1>, vector<784x1024xf32>
    %reduce_min3A_111 = arith.constant dense<0x7F800000> : vector<1024xf32>
    %reduce_min3A_112 = vector.multi_reduction <minimumf>, %select_n3A_110, %reduce_min3A_111 [0] : vector<784x1024xf32> to vector<1024xf32>
    %broadcast_in_dim3A_113 = vector.shape_cast %reduce_min3A_112 : vector<1024xf32> to vector<1x1024xf32>
    %eq3A_114 = vector.broadcast %broadcast_in_dim3A_113 : vector<1x1024xf32> to vector<784x1024xf32>
    %eq3A_115 = arith.cmpf oeq, %select_n3A_110, %eq3A_114 : vector<784x1024xf32>
    %jit3A_116 = arith.constant 2147483647 : i32
    %broadcast_in_dim3A_117 = vector.broadcast %jit3A_116 : i32 to vector<784x1024xi32>
    %select_n3A_118 = arith.select %eq3A_115, %iota3A, %broadcast_in_dim3A_117 : vector<784x1024xi1>, vector<784x1024xi32>
    %reduce_min3A_119 = arith.constant dense<2147483647> : vector<1024xi32>
    %reduce_min3A_120 = vector.multi_reduction <minsi>, %select_n3A_118, %reduce_min3A_119 [0] : vector<784x1024xi32> to vector<1024xi32>
    %broadcast_in_dim3A_121 = vector.shape_cast %reduce_min3A_120 : vector<1024xi32> to vector<1x1024xi32>
    %concatenate3A = tpu.concatenate %broadcast_in_dim3A_9, %broadcast_in_dim3A_25, %broadcast_in_dim3A_41, %broadcast_in_dim3A_57, %broadcast_in_dim3A_73, %broadcast_in_dim3A_89, %broadcast_in_dim3A_105, %broadcast_in_dim3A_121 in 0 : vector<1x1024xi32>, vector<1x1024xi32>, vector<1x1024xi32>, vector<1x1024xi32>, vector<1x1024xi32>, vector<1x1024xi32>, vector<1x1024xi32>, vector<1x1024xi32> -> vector<8x1024xi32>
    %swap3A = arith.constant 0 : index
    %swap3A_122 = arith.constant 0 : index
    %swap3A_123 = vector.load %arg1[%swap3A, %swap3A_122] : memref<8x1024xi32, #tpu.memory_space<vmem>>, vector<8x1024xi32>
    tpu.vector_store %arg1[%swap3A, %swap3A_122], %concatenate3A {strides = array<i32>} : memref<8x1024xi32, #tpu.memory_space<vmem>>, vector<8x1024xi32>,
    return
  }
}

module attributes {stable_mosaic.version = 14 : i64} {
  func.func @_dist_a_kernel(%arg0: i32, %arg1: memref<1024x16xf32, #tpu.memory_space<vmem>>, %arg2: memref<16x2048xf32, #tpu.memory_space<vmem>>, %arg3: memref<1024x1xf32, #tpu.memory_space<vmem>>, %arg4: memref<1x2048xf32, #tpu.memory_space<vmem>>, %arg5: memref<1024x2048xf32, #tpu.memory_space<vmem>>) attributes {dimension_semantics = [#tpu.dimension_semantics<arbitrary>], iteration_bounds = array<i64: 49>, scalar_prefetch = 0 : i64, scratch_operands = 0 : i64, tpu.core_type = #tpu.core_type<tc>, window_params = [{pipeline_mode = #tpu.pipeline_mode<synchronous>, transform_indices = @transform_0, window_bounds = array<i64: 1024, 16>}, {transform_indices = @transform_1, window_bounds = array<i64: 16, 2048>}, {pipeline_mode = #tpu.pipeline_mode<synchronous>, transform_indices = @transform_2, window_bounds = array<i64: 1024, 1>}, {transform_indices = @transform_3, window_bounds = array<i64: 1, 2048>}, {transform_indices = @transform_4, window_bounds = array<i64: 1024, 2048>}]} {
    %get3A = arith.constant 0 : index
    %get3A_0 = arith.constant 0 : index
    %get3A_1 = vector.load %arg1[%get3A, %get3A_0] : memref<1024x16xf32, #tpu.memory_space<vmem>>, vector<1024x16xf32>
    %get3A_2 = arith.constant 0 : index
    %get3A_3 = arith.constant 0 : index
    %get3A_4 = vector.load %arg2[%get3A_2, %get3A_3] : memref<16x2048xf32, #tpu.memory_space<vmem>>, vector<16x2048xf32>
    %dot_general3A = arith.constant dense<0.000000e+00> : vector<1024x2048xf32>
    %dot_general3A_5 = tpu.matmul %get3A_1, %get3A_4, %dot_general3A {dimension_numbers = #tpu.dot_dimension_numbers<[1], [0], [0], [1], [0, 0, 1, 1], [], []>, transpose_lhs_hint = false} : vector<1024x16xf32>, vector<16x2048xf32>, vector<1024x2048xf32> -> vector<1024x2048xf32>
    %get3A_6 = arith.constant 0 : index
    %get3A_7 = arith.constant 0 : index
    %get3A_8 = vector.load %arg3[%get3A_6, %get3A_7] : memref<1024x1xf32, #tpu.memory_space<vmem>>, vector<1024x1xf32>
    %get3A_9 = arith.constant 0 : index
    %get3A_10 = arith.constant 0 : index
    %get3A_11 = vector.load %arg4[%get3A_9, %get3A_10] : memref<1x2048xf32, #tpu.memory_space<vmem>>, vector<1x2048xf32>
    %add3A = vector.broadcast %get3A_8 : vector<1024x1xf32> to vector<1024x2048xf32>
    %add3A_12 = vector.broadcast %get3A_11 : vector<1x2048xf32> to vector<1024x2048xf32>
    %add3A_13 = arith.addf %add3A, %add3A_12 : vector<1024x2048xf32>
    %mul3A = arith.constant 2.000000e+00 : f32
    %mul3A_14 = vector.broadcast %mul3A : f32 to vector<1024x2048xf32>
    %mul3A_15 = arith.mulf %mul3A_14, %dot_general3A_5 : vector<1024x2048xf32>
    %sub3A = arith.subf %add3A_13, %mul3A_15 : vector<1024x2048xf32>
    %swap3A = arith.constant 0 : index
    %swap3A_16 = arith.constant 0 : index
    %swap3A_17 = vector.load %arg5[%swap3A, %swap3A_16] : memref<1024x2048xf32, #tpu.memory_space<vmem>>, vector<1024x2048xf32>
    tpu.vector_store %arg5[%swap3A, %swap3A_16], %sub3A {strides = array<i32>} : memref<1024x2048xf32, #tpu.memory_space<vmem>>, vector<1024x2048xf32>,
    return
  }
  func.func @transform_0(%arg0: i32) -> (i32, i32) {
    %c0_i32 = arith.constant 0 : i32
    %c0_i32_0 = arith.constant 0 : i32
    %c0_i32_1 = arith.constant 0 : i32
    return %c0_i32, %c0_i32_0 : i32, i32
  }
  func.func @transform_1(%arg0: i32) -> (i32, i32) {
    %c0_i32 = arith.constant 0 : i32
    %c0_i32_0 = arith.constant 0 : i32
    return %c0_i32, %arg0 : i32, i32
  }
  func.func @transform_2(%arg0: i32) -> (i32, i32) {
    %c0_i32 = arith.constant 0 : i32
    %c0_i32_0 = arith.constant 0 : i32
    %c0_i32_1 = arith.constant 0 : i32
    return %c0_i32, %c0_i32_0 : i32, i32
  }
  func.func @transform_3(%arg0: i32) -> (i32, i32) {
    %c0_i32 = arith.constant 0 : i32
    %c0_i32_0 = arith.constant 0 : i32
    return %c0_i32, %arg0 : i32, i32
  }
  func.func @transform_4(%arg0: i32) -> (i32, i32) {
    %c0_i32 = arith.constant 0 : i32
    %c0_i32_0 = arith.constant 0 : i32
    return %c0_i32, %arg0 : i32, i32
  }
}

module attributes {stable_mosaic.version = 14 : i64} {
  func.func @_topk_vote_kernel(%arg0: memref<1024x1024xf32, #tpu.memory_space<vmem>>, %arg1: memref<1024x1024xi32, #tpu.memory_space<vmem>>, %arg2: memref<1024x1024xi32, #tpu.memory_space<vmem>>, %arg3: memref<1024x1xi32, #tpu.memory_space<vmem>>) attributes {dimension_semantics = [], scalar_prefetch = 0 : i64, scratch_operands = 0 : i64, tpu.core_type = #tpu.core_type<tc>} {
    %get3A = arith.constant 0 : index
    %get3A_0 = arith.constant 0 : index
    %get3A_1 = vector.load %arg0[%get3A, %get3A_0] : memref<1024x1024xf32, #tpu.memory_space<vmem>>, vector<1024x1024xf32>
    %max3A = arith.constant 0.000000e+00 : f32
    %max3A_2 = vector.broadcast %max3A : f32 to vector<1024x1024xf32>
    %max3A_3 = arith.maximumf %get3A_1, %max3A_2 : vector<1024x1024xf32>
    %sqrt3A = math.sqrt %max3A_3 : vector<1024x1024xf32>
    %get3A_4 = arith.constant 0 : index
    %get3A_5 = arith.constant 0 : index
    %get3A_6 = vector.load %arg1[%get3A_4, %get3A_5] : memref<1024x1024xi32, #tpu.memory_space<vmem>>, vector<1024x1024xi32>
    %get3A_7 = arith.constant 0 : index
    %get3A_8 = arith.constant 0 : index
    %get3A_9 = vector.load %arg2[%get3A_7, %get3A_8] : memref<1024x1024xi32, #tpu.memory_space<vmem>>, vector<1024x1024xi32>
    %broadcast_in_dim3A = arith.constant 0 : i32
    %broadcast_in_dim3A_10 = vector.broadcast %broadcast_in_dim3A : i32 to vector<1024x1xi32>
    %broadcast_in_dim3A_11 = arith.constant 0 : i32
    %broadcast_in_dim3A_12 = vector.broadcast %broadcast_in_dim3A_11 : i32 to vector<1024x1xi32>
    %broadcast_in_dim3A_13 = arith.constant 0 : i32
    %broadcast_in_dim3A_14 = vector.broadcast %broadcast_in_dim3A_13 : i32 to vector<1024x1xi32>
    %broadcast_in_dim3A_15 = arith.constant 0 : i32
    %broadcast_in_dim3A_16 = vector.broadcast %broadcast_in_dim3A_15 : i32 to vector<1024x1xi32>
    %broadcast_in_dim3A_17 = arith.constant 0 : i32
    %broadcast_in_dim3A_18 = vector.broadcast %broadcast_in_dim3A_17 : i32 to vector<1024x1xi32>
    %broadcast_in_dim3A_19 = arith.constant 0 : i32
    %broadcast_in_dim3A_20 = vector.broadcast %broadcast_in_dim3A_19 : i32 to vector<1024x1xi32>
    %broadcast_in_dim3A_21 = arith.constant 0 : i32
    %broadcast_in_dim3A_22 = vector.broadcast %broadcast_in_dim3A_21 : i32 to vector<1024x1xi32>
    %broadcast_in_dim3A_23 = arith.constant 0 : i32
    %broadcast_in_dim3A_24 = vector.broadcast %broadcast_in_dim3A_23 : i32 to vector<1024x1xi32>
    %broadcast_in_dim3A_25 = arith.constant 0 : i32
    %broadcast_in_dim3A_26 = vector.broadcast %broadcast_in_dim3A_25 : i32 to vector<1024x1xi32>
    %broadcast_in_dim3A_27 = arith.constant 0 : i32
    %broadcast_in_dim3A_28 = vector.broadcast %broadcast_in_dim3A_27 : i32 to vector<1024x1xi32>
    %reduce_min3A = arith.constant dense<0x7F800000> : vector<1024xf32>
    %reduce_min3A_29 = vector.multi_reduction <minimumf>, %sqrt3A, %reduce_min3A [1] : vector<1024x1024xf32> to vector<1024xf32>
    %broadcast_in_dim3A_30 = vector.shape_cast %reduce_min3A_29 : vector<1024xf32> to vector<1024x1xf32>
    %eq3A = vector.broadcast %broadcast_in_dim3A_30 : vector<1024x1xf32> to vector<1024x1024xf32>
    %eq3A_31 = arith.cmpf oeq, %sqrt3A, %eq3A : vector<1024x1024xf32>
    %jit3A = arith.constant 2147483647 : i32
    %broadcast_in_dim3A_32 = vector.broadcast %jit3A : i32 to vector<1024x1024xi32>
    %select_n3A = arith.select %eq3A_31, %get3A_6, %broadcast_in_dim3A_32 : vector<1024x1024xi1>, vector<1024x1024xi32>
    %reduce_min3A_33 = arith.constant dense<2147483647> : vector<1024xi32>
    %reduce_min3A_34 = vector.multi_reduction <minsi>, %select_n3A, %reduce_min3A_33 [1] : vector<1024x1024xi32> to vector<1024xi32>
    %broadcast_in_dim3A_35 = vector.shape_cast %reduce_min3A_34 : vector<1024xi32> to vector<1024x1xi32>
    %eq3A_36 = vector.broadcast %broadcast_in_dim3A_35 : vector<1024x1xi32> to vector<1024x1024xi32>
    %eq3A_37 = arith.cmpi eq, %get3A_6, %eq3A_36 : vector<1024x1024xi32>
    %jit3A_38 = arith.constant 2147483647 : i32
    %broadcast_in_dim3A_39 = vector.broadcast %jit3A_38 : i32 to vector<1024x1024xi32>
    %select_n3A_40 = arith.select %eq3A_37, %get3A_9, %broadcast_in_dim3A_39 : vector<1024x1024xi1>, vector<1024x1024xi32>
    %reduce_min3A_41 = arith.constant dense<2147483647> : vector<1024xi32>
    %reduce_min3A_42 = vector.multi_reduction <minsi>, %select_n3A_40, %reduce_min3A_41 [1] : vector<1024x1024xi32> to vector<1024xi32>
    %broadcast_in_dim3A_43 = vector.shape_cast %reduce_min3A_42 : vector<1024xi32> to vector<1024x1xi32>
    %jit3A_44 = arith.constant 3.000000e+38 : f32
    %broadcast_in_dim3A_45 = vector.broadcast %jit3A_44 : f32 to vector<1024x1024xf32>
    %select_n3A_46 = arith.select %eq3A_37, %broadcast_in_dim3A_45, %sqrt3A : vector<1024x1024xi1>, vector<1024x1024xf32>
    %eq3A_47 = arith.constant 0 : i32
    %eq3A_48 = vector.broadcast %eq3A_47 : i32 to vector<1024x1xi32>
    %eq3A_49 = arith.cmpi eq, %broadcast_in_dim3A_43, %eq3A_48 : vector<1024x1xi32>
    %convert_element_type3A = arith.extui %eq3A_49 : vector<1024x1xi1> to vector<1024x1xi32>
    %add3A = arith.addi %broadcast_in_dim3A_10, %convert_element_type3A : vector<1024x1xi32>
    %eq3A_50 = arith.constant 1 : i32
    %eq3A_51 = vector.broadcast %eq3A_50 : i32 to vector<1024x1xi32>
    %eq3A_52 = arith.cmpi eq, %broadcast_in_dim3A_43, %eq3A_51 : vector<1024x1xi32>
    %convert_element_type3A_53 = arith.extui %eq3A_52 : vector<1024x1xi1> to vector<1024x1xi32>
    %add3A_54 = arith.addi %broadcast_in_dim3A_12, %convert_element_type3A_53 : vector<1024x1xi32>
    %eq3A_55 = arith.constant 2 : i32
    %eq3A_56 = vector.broadcast %eq3A_55 : i32 to vector<1024x1xi32>
    %eq3A_57 = arith.cmpi eq, %broadcast_in_dim3A_43, %eq3A_56 : vector<1024x1xi32>
    %convert_element_type3A_58 = arith.extui %eq3A_57 : vector<1024x1xi1> to vector<1024x1xi32>
    %add3A_59 = arith.addi %broadcast_in_dim3A_14, %convert_element_type3A_58 : vector<1024x1xi32>
    %eq3A_60 = arith.constant 3 : i32
    %eq3A_61 = vector.broadcast %eq3A_60 : i32 to vector<1024x1xi32>
    %eq3A_62 = arith.cmpi eq, %broadcast_in_dim3A_43, %eq3A_61 : vector<1024x1xi32>
    %convert_element_type3A_63 = arith.extui %eq3A_62 : vector<1024x1xi1> to vector<1024x1xi32>
    %add3A_64 = arith.addi %broadcast_in_dim3A_16, %convert_element_type3A_63 : vector<1024x1xi32>
    %eq3A_65 = arith.constant 4 : i32
    %eq3A_66 = vector.broadcast %eq3A_65 : i32 to vector<1024x1xi32>
    %eq3A_67 = arith.cmpi eq, %broadcast_in_dim3A_43, %eq3A_66 : vector<1024x1xi32>
    %convert_element_type3A_68 = arith.extui %eq3A_67 : vector<1024x1xi1> to vector<1024x1xi32>
    %add3A_69 = arith.addi %broadcast_in_dim3A_18, %convert_element_type3A_68 : vector<1024x1xi32>
    %eq3A_70 = arith.constant 5 : i32
    %eq3A_71 = vector.broadcast %eq3A_70 : i32 to vector<1024x1xi32>
    %eq3A_72 = arith.cmpi eq, %broadcast_in_dim3A_43, %eq3A_71 : vector<1024x1xi32>
    %convert_element_type3A_73 = arith.extui %eq3A_72 : vector<1024x1xi1> to vector<1024x1xi32>
    %add3A_74 = arith.addi %broadcast_in_dim3A_20, %convert_element_type3A_73 : vector<1024x1xi32>
    %eq3A_75 = arith.constant 6 : i32
    %eq3A_76 = vector.broadcast %eq3A_75 : i32 to vector<1024x1xi32>
    %eq3A_77 = arith.cmpi eq, %broadcast_in_dim3A_43, %eq3A_76 : vector<1024x1xi32>
    %convert_element_type3A_78 = arith.extui %eq3A_77 : vector<1024x1xi1> to vector<1024x1xi32>
    %add3A_79 = arith.addi %broadcast_in_dim3A_22, %convert_element_type3A_78 : vector<1024x1xi32>
    %eq3A_80 = arith.constant 7 : i32
    %eq3A_81 = vector.broadcast %eq3A_80 : i32 to vector<1024x1xi32>
    %eq3A_82 = arith.cmpi eq, %broadcast_in_dim3A_43, %eq3A_81 : vector<1024x1xi32>
    %convert_element_type3A_83 = arith.extui %eq3A_82 : vector<1024x1xi1> to vector<1024x1xi32>
    %add3A_84 = arith.addi %broadcast_in_dim3A_24, %convert_element_type3A_83 : vector<1024x1xi32>
    %eq3A_85 = arith.constant 8 : i32
    %eq3A_86 = vector.broadcast %eq3A_85 : i32 to vector<1024x1xi32>
    %eq3A_87 = arith.cmpi eq, %broadcast_in_dim3A_43, %eq3A_86 : vector<1024x1xi32>
    %convert_element_type3A_88 = arith.extui %eq3A_87 : vector<1024x1xi1> to vector<1024x1xi32>
    %add3A_89 = arith.addi %broadcast_in_dim3A_26, %convert_element_type3A_88 : vector<1024x1xi32>
    %eq3A_90 = arith.constant 9 : i32
    %eq3A_91 = vector.broadcast %eq3A_90 : i32 to vector<1024x1xi32>
    %eq3A_92 = arith.cmpi eq, %broadcast_in_dim3A_43, %eq3A_91 : vector<1024x1xi32>
    %convert_element_type3A_93 = arith.extui %eq3A_92 : vector<1024x1xi1> to vector<1024x1xi32>
    %add3A_94 = arith.addi %broadcast_in_dim3A_28, %convert_element_type3A_93 : vector<1024x1xi32>
    %reduce_min3A_95 = arith.constant dense<0x7F800000> : vector<1024xf32>
    %reduce_min3A_96 = vector.multi_reduction <minimumf>, %select_n3A_46, %reduce_min3A_95 [1] : vector<1024x1024xf32> to vector<1024xf32>
    %broadcast_in_dim3A_97 = vector.shape_cast %reduce_min3A_96 : vector<1024xf32> to vector<1024x1xf32>
    %eq3A_98 = vector.broadcast %broadcast_in_dim3A_97 : vector<1024x1xf32> to vector<1024x1024xf32>
    %eq3A_99 = arith.cmpf oeq, %select_n3A_46, %eq3A_98 : vector<1024x1024xf32>
    %jit3A_100 = arith.constant 2147483647 : i32
    %broadcast_in_dim3A_101 = vector.broadcast %jit3A_100 : i32 to vector<1024x1024xi32>
    %select_n3A_102 = arith.select %eq3A_99, %get3A_6, %broadcast_in_dim3A_101 : vector<1024x1024xi1>, vector<1024x1024xi32>
    %reduce_min3A_103 = arith.constant dense<2147483647> : vector<1024xi32>
    %reduce_min3A_104 = vector.multi_reduction <minsi>, %select_n3A_102, %reduce_min3A_103 [1] : vector<1024x1024xi32> to vector<1024xi32>
    %broadcast_in_dim3A_105 = vector.shape_cast %reduce_min3A_104 : vector<1024xi32> to vector<1024x1xi32>
    %eq3A_106 = vector.broadcast %broadcast_in_dim3A_105 : vector<1024x1xi32> to vector<1024x1024xi32>
    %eq3A_107 = arith.cmpi eq, %get3A_6, %eq3A_106 : vector<1024x1024xi32>
    %jit3A_108 = arith.constant 2147483647 : i32
    %broadcast_in_dim3A_109 = vector.broadcast %jit3A_108 : i32 to vector<1024x1024xi32>
    %select_n3A_110 = arith.select %eq3A_107, %get3A_9, %broadcast_in_dim3A_109 : vector<1024x1024xi1>, vector<1024x1024xi32>
    %reduce_min3A_111 = arith.constant dense<2147483647> : vector<1024xi32>
    %reduce_min3A_112 = vector.multi_reduction <minsi>, %select_n3A_110, %reduce_min3A_111 [1] : vector<1024x1024xi32> to vector<1024xi32>
    %broadcast_in_dim3A_113 = vector.shape_cast %reduce_min3A_112 : vector<1024xi32> to vector<1024x1xi32>
    %jit3A_114 = arith.constant 3.000000e+38 : f32
    %broadcast_in_dim3A_115 = vector.broadcast %jit3A_114 : f32 to vector<1024x1024xf32>
    %select_n3A_116 = arith.select %eq3A_107, %broadcast_in_dim3A_115, %select_n3A_46 : vector<1024x1024xi1>, vector<1024x1024xf32>
    %eq3A_117 = arith.constant 0 : i32
    %eq3A_118 = vector.broadcast %eq3A_117 : i32 to vector<1024x1xi32>
    %eq3A_119 = arith.cmpi eq, %broadcast_in_dim3A_113, %eq3A_118 : vector<1024x1xi32>
    %convert_element_type3A_120 = arith.extui %eq3A_119 : vector<1024x1xi1> to vector<1024x1xi32>
    %add3A_121 = arith.addi %add3A, %convert_element_type3A_120 : vector<1024x1xi32>
    %eq3A_122 = arith.constant 1 : i32
    %eq3A_123 = vector.broadcast %eq3A_122 : i32 to vector<1024x1xi32>
    %eq3A_124 = arith.cmpi eq, %broadcast_in_dim3A_113, %eq3A_123 : vector<1024x1xi32>
    %convert_element_type3A_125 = arith.extui %eq3A_124 : vector<1024x1xi1> to vector<1024x1xi32>
    %add3A_126 = arith.addi %add3A_54, %convert_element_type3A_125 : vector<1024x1xi32>
    %eq3A_127 = arith.constant 2 : i32
    %eq3A_128 = vector.broadcast %eq3A_127 : i32 to vector<1024x1xi32>
    %eq3A_129 = arith.cmpi eq, %broadcast_in_dim3A_113, %eq3A_128 : vector<1024x1xi32>
    %convert_element_type3A_130 = arith.extui %eq3A_129 : vector<1024x1xi1> to vector<1024x1xi32>
    %add3A_131 = arith.addi %add3A_59, %convert_element_type3A_130 : vector<1024x1xi32>
    %eq3A_132 = arith.constant 3 : i32
    %eq3A_133 = vector.broadcast %eq3A_132 : i32 to vector<1024x1xi32>
    %eq3A_134 = arith.cmpi eq, %broadcast_in_dim3A_113, %eq3A_133 : vector<1024x1xi32>
    %convert_element_type3A_135 = arith.extui %eq3A_134 : vector<1024x1xi1> to vector<1024x1xi32>
    %add3A_136 = arith.addi %add3A_64, %convert_element_type3A_135 : vector<1024x1xi32>
    %eq3A_137 = arith.constant 4 : i32
    %eq3A_138 = vector.broadcast %eq3A_137 : i32 to vector<1024x1xi32>
    %eq3A_139 = arith.cmpi eq, %broadcast_in_dim3A_113, %eq3A_138 : vector<1024x1xi32>
    %convert_element_type3A_140 = arith.extui %eq3A_139 : vector<1024x1xi1> to vector<1024x1xi32>
    %add3A_141 = arith.addi %add3A_69, %convert_element_type3A_140 : vector<1024x1xi32>
    %eq3A_142 = arith.constant 5 : i32
    %eq3A_143 = vector.broadcast %eq3A_142 : i32 to vector<1024x1xi32>
    %eq3A_144 = arith.cmpi eq, %broadcast_in_dim3A_113, %eq3A_143 : vector<1024x1xi32>
    %convert_element_type3A_145 = arith.extui %eq3A_144 : vector<1024x1xi1> to vector<1024x1xi32>
    %add3A_146 = arith.addi %add3A_74, %convert_element_type3A_145 : vector<1024x1xi32>
    %eq3A_147 = arith.constant 6 : i32
    %eq3A_148 = vector.broadcast %eq3A_147 : i32 to vector<1024x1xi32>
    %eq3A_149 = arith.cmpi eq, %broadcast_in_dim3A_113, %eq3A_148 : vector<1024x1xi32>
    %convert_element_type3A_150 = arith.extui %eq3A_149 : vector<1024x1xi1> to vector<1024x1xi32>
    %add3A_151 = arith.addi %add3A_79, %convert_element_type3A_150 : vector<1024x1xi32>
    %eq3A_152 = arith.constant 7 : i32
    %eq3A_153 = vector.broadcast %eq3A_152 : i32 to vector<1024x1xi32>
    %eq3A_154 = arith.cmpi eq, %broadcast_in_dim3A_113, %eq3A_153 : vector<1024x1xi32>
    %convert_element_type3A_155 = arith.extui %eq3A_154 : vector<1024x1xi1> to vector<1024x1xi32>
    %add3A_156 = arith.addi %add3A_84, %convert_element_type3A_155 : vector<1024x1xi32>
    %eq3A_157 = arith.constant 8 : i32
    %eq3A_158 = vector.broadcast %eq3A_157 : i32 to vector<1024x1xi32>
    %eq3A_159 = arith.cmpi eq, %broadcast_in_dim3A_113, %eq3A_158 : vector<1024x1xi32>
    %convert_element_type3A_160 = arith.extui %eq3A_159 : vector<1024x1xi1> to vector<1024x1xi32>
    %add3A_161 = arith.addi %add3A_89, %convert_element_type3A_160 : vector<1024x1xi32>
    %eq3A_162 = arith.constant 9 : i32
    %eq3A_163 = vector.broadcast %eq3A_162 : i32 to vector<1024x1xi32>
    %eq3A_164 = arith.cmpi eq, %broadcast_in_dim3A_113, %eq3A_163 : vector<1024x1xi32>
    %convert_element_type3A_165 = arith.extui %eq3A_164 : vector<1024x1xi1> to vector<1024x1xi32>
    %add3A_166 = arith.addi %add3A_94, %convert_element_type3A_165 : vector<1024x1xi32>
    %reduce_min3A_167 = arith.constant dense<0x7F800000> : vector<1024xf32>
    %reduce_min3A_168 = vector.multi_reduction <minimumf>, %select_n3A_116, %reduce_min3A_167 [1] : vector<1024x1024xf32> to vector<1024xf32>
    %broadcast_in_dim3A_169 = vector.shape_cast %reduce_min3A_168 : vector<1024xf32> to vector<1024x1xf32>
    %eq3A_170 = vector.broadcast %broadcast_in_dim3A_169 : vector<1024x1xf32> to vector<1024x1024xf32>
    %eq3A_171 = arith.cmpf oeq, %select_n3A_116, %eq3A_170 : vector<1024x1024xf32>
    %jit3A_172 = arith.constant 2147483647 : i32
    %broadcast_in_dim3A_173 = vector.broadcast %jit3A_172 : i32 to vector<1024x1024xi32>
    %select_n3A_174 = arith.select %eq3A_171, %get3A_6, %broadcast_in_dim3A_173 : vector<1024x1024xi1>, vector<1024x1024xi32>
    %reduce_min3A_175 = arith.constant dense<2147483647> : vector<1024xi32>
    %reduce_min3A_176 = vector.multi_reduction <minsi>, %select_n3A_174, %reduce_min3A_175 [1] : vector<1024x1024xi32> to vector<1024xi32>
    %broadcast_in_dim3A_177 = vector.shape_cast %reduce_min3A_176 : vector<1024xi32> to vector<1024x1xi32>
    %eq3A_178 = vector.broadcast %broadcast_in_dim3A_177 : vector<1024x1xi32> to vector<1024x1024xi32>
    %eq3A_179 = arith.cmpi eq, %get3A_6, %eq3A_178 : vector<1024x1024xi32>
    %jit3A_180 = arith.constant 2147483647 : i32
    %broadcast_in_dim3A_181 = vector.broadcast %jit3A_180 : i32 to vector<1024x1024xi32>
    %select_n3A_182 = arith.select %eq3A_179, %get3A_9, %broadcast_in_dim3A_181 : vector<1024x1024xi1>, vector<1024x1024xi32>
    %reduce_min3A_183 = arith.constant dense<2147483647> : vector<1024xi32>
    %reduce_min3A_184 = vector.multi_reduction <minsi>, %select_n3A_182, %reduce_min3A_183 [1] : vector<1024x1024xi32> to vector<1024xi32>
    %broadcast_in_dim3A_185 = vector.shape_cast %reduce_min3A_184 : vector<1024xi32> to vector<1024x1xi32>
    %jit3A_186 = arith.constant 3.000000e+38 : f32
    %broadcast_in_dim3A_187 = vector.broadcast %jit3A_186 : f32 to vector<1024x1024xf32>
    %select_n3A_188 = arith.select %eq3A_179, %broadcast_in_dim3A_187, %select_n3A_116 : vector<1024x1024xi1>, vector<1024x1024xf32>
    %eq3A_189 = arith.constant 0 : i32
    %eq3A_190 = vector.broadcast %eq3A_189 : i32 to vector<1024x1xi32>
    %eq3A_191 = arith.cmpi eq, %broadcast_in_dim3A_185, %eq3A_190 : vector<1024x1xi32>
    %convert_element_type3A_192 = arith.extui %eq3A_191 : vector<1024x1xi1> to vector<1024x1xi32>
    %add3A_193 = arith.addi %add3A_121, %convert_element_type3A_192 : vector<1024x1xi32>
    %eq3A_194 = arith.constant 1 : i32
    %eq3A_195 = vector.broadcast %eq3A_194 : i32 to vector<1024x1xi32>
    %eq3A_196 = arith.cmpi eq, %broadcast_in_dim3A_185, %eq3A_195 : vector<1024x1xi32>
    %convert_element_type3A_197 = arith.extui %eq3A_196 : vector<1024x1xi1> to vector<1024x1xi32>
    %add3A_198 = arith.addi %add3A_126, %convert_element_type3A_197 : vector<1024x1xi32>
    %eq3A_199 = arith.constant 2 : i32
    %eq3A_200 = vector.broadcast %eq3A_199 : i32 to vector<1024x1xi32>
    %eq3A_201 = arith.cmpi eq, %broadcast_in_dim3A_185, %eq3A_200 : vector<1024x1xi32>
    %convert_element_type3A_202 = arith.extui %eq3A_201 : vector<1024x1xi1> to vector<1024x1xi32>
    %add3A_203 = arith.addi %add3A_131, %convert_element_type3A_202 : vector<1024x1xi32>
    %eq3A_204 = arith.constant 3 : i32
    %eq3A_205 = vector.broadcast %eq3A_204 : i32 to vector<1024x1xi32>
    %eq3A_206 = arith.cmpi eq, %broadcast_in_dim3A_185, %eq3A_205 : vector<1024x1xi32>
    %convert_element_type3A_207 = arith.extui %eq3A_206 : vector<1024x1xi1> to vector<1024x1xi32>
    %add3A_208 = arith.addi %add3A_136, %convert_element_type3A_207 : vector<1024x1xi32>
    %eq3A_209 = arith.constant 4 : i32
    %eq3A_210 = vector.broadcast %eq3A_209 : i32 to vector<1024x1xi32>
    %eq3A_211 = arith.cmpi eq, %broadcast_in_dim3A_185, %eq3A_210 : vector<1024x1xi32>
    %convert_element_type3A_212 = arith.extui %eq3A_211 : vector<1024x1xi1> to vector<1024x1xi32>
    %add3A_213 = arith.addi %add3A_141, %convert_element_type3A_212 : vector<1024x1xi32>
    %eq3A_214 = arith.constant 5 : i32
    %eq3A_215 = vector.broadcast %eq3A_214 : i32 to vector<1024x1xi32>
    %eq3A_216 = arith.cmpi eq, %broadcast_in_dim3A_185, %eq3A_215 : vector<1024x1xi32>
    %convert_element_type3A_217 = arith.extui %eq3A_216 : vector<1024x1xi1> to vector<1024x1xi32>
    %add3A_218 = arith.addi %add3A_146, %convert_element_type3A_217 : vector<1024x1xi32>
    %eq3A_219 = arith.constant 6 : i32
    %eq3A_220 = vector.broadcast %eq3A_219 : i32 to vector<1024x1xi32>
    %eq3A_221 = arith.cmpi eq, %broadcast_in_dim3A_185, %eq3A_220 : vector<1024x1xi32>
    %convert_element_type3A_222 = arith.extui %eq3A_221 : vector<1024x1xi1> to vector<1024x1xi32>
    %add3A_223 = arith.addi %add3A_151, %convert_element_type3A_222 : vector<1024x1xi32>
    %eq3A_224 = arith.constant 7 : i32
    %eq3A_225 = vector.broadcast %eq3A_224 : i32 to vector<1024x1xi32>
    %eq3A_226 = arith.cmpi eq, %broadcast_in_dim3A_185, %eq3A_225 : vector<1024x1xi32>
    %convert_element_type3A_227 = arith.extui %eq3A_226 : vector<1024x1xi1> to vector<1024x1xi32>
    %add3A_228 = arith.addi %add3A_156, %convert_element_type3A_227 : vector<1024x1xi32>
    %eq3A_229 = arith.constant 8 : i32
    %eq3A_230 = vector.broadcast %eq3A_229 : i32 to vector<1024x1xi32>
    %eq3A_231 = arith.cmpi eq, %broadcast_in_dim3A_185, %eq3A_230 : vector<1024x1xi32>
    %convert_element_type3A_232 = arith.extui %eq3A_231 : vector<1024x1xi1> to vector<1024x1xi32>
    %add3A_233 = arith.addi %add3A_161, %convert_element_type3A_232 : vector<1024x1xi32>
    %eq3A_234 = arith.constant 9 : i32
    %eq3A_235 = vector.broadcast %eq3A_234 : i32 to vector<1024x1xi32>
    %eq3A_236 = arith.cmpi eq, %broadcast_in_dim3A_185, %eq3A_235 : vector<1024x1xi32>
    %convert_element_type3A_237 = arith.extui %eq3A_236 : vector<1024x1xi1> to vector<1024x1xi32>
    %add3A_238 = arith.addi %add3A_166, %convert_element_type3A_237 : vector<1024x1xi32>
    %reduce_min3A_239 = arith.constant dense<0x7F800000> : vector<1024xf32>
    %reduce_min3A_240 = vector.multi_reduction <minimumf>, %select_n3A_188, %reduce_min3A_239 [1] : vector<1024x1024xf32> to vector<1024xf32>
    %broadcast_in_dim3A_241 = vector.shape_cast %reduce_min3A_240 : vector<1024xf32> to vector<1024x1xf32>
    %eq3A_242 = vector.broadcast %broadcast_in_dim3A_241 : vector<1024x1xf32> to vector<1024x1024xf32>
    %eq3A_243 = arith.cmpf oeq, %select_n3A_188, %eq3A_242 : vector<1024x1024xf32>
    %jit3A_244 = arith.constant 2147483647 : i32
    %broadcast_in_dim3A_245 = vector.broadcast %jit3A_244 : i32 to vector<1024x1024xi32>
    %select_n3A_246 = arith.select %eq3A_243, %get3A_6, %broadcast_in_dim3A_245 : vector<1024x1024xi1>, vector<1024x1024xi32>
    %reduce_min3A_247 = arith.constant dense<2147483647> : vector<1024xi32>
    %reduce_min3A_248 = vector.multi_reduction <minsi>, %select_n3A_246, %reduce_min3A_247 [1] : vector<1024x1024xi32> to vector<1024xi32>
    %broadcast_in_dim3A_249 = vector.shape_cast %reduce_min3A_248 : vector<1024xi32> to vector<1024x1xi32>
    %eq3A_250 = vector.broadcast %broadcast_in_dim3A_249 : vector<1024x1xi32> to vector<1024x1024xi32>
    %eq3A_251 = arith.cmpi eq, %get3A_6, %eq3A_250 : vector<1024x1024xi32>
    %jit3A_252 = arith.constant 2147483647 : i32
    %broadcast_in_dim3A_253 = vector.broadcast %jit3A_252 : i32 to vector<1024x1024xi32>
    %select_n3A_254 = arith.select %eq3A_251, %get3A_9, %broadcast_in_dim3A_253 : vector<1024x1024xi1>, vector<1024x1024xi32>
    %reduce_min3A_255 = arith.constant dense<2147483647> : vector<1024xi32>
    %reduce_min3A_256 = vector.multi_reduction <minsi>, %select_n3A_254, %reduce_min3A_255 [1] : vector<1024x1024xi32> to vector<1024xi32>
    %broadcast_in_dim3A_257 = vector.shape_cast %reduce_min3A_256 : vector<1024xi32> to vector<1024x1xi32>
    %jit3A_258 = arith.constant 3.000000e+38 : f32
    %broadcast_in_dim3A_259 = vector.broadcast %jit3A_258 : f32 to vector<1024x1024xf32>
    %select_n3A_260 = arith.select %eq3A_251, %broadcast_in_dim3A_259, %select_n3A_188 : vector<1024x1024xi1>, vector<1024x1024xf32>
    %eq3A_261 = arith.constant 0 : i32
    %eq3A_262 = vector.broadcast %eq3A_261 : i32 to vector<1024x1xi32>
    %eq3A_263 = arith.cmpi eq, %broadcast_in_dim3A_257, %eq3A_262 : vector<1024x1xi32>
    %convert_element_type3A_264 = arith.extui %eq3A_263 : vector<1024x1xi1> to vector<1024x1xi32>
    %add3A_265 = arith.addi %add3A_193, %convert_element_type3A_264 : vector<1024x1xi32>
    %eq3A_266 = arith.constant 1 : i32
    %eq3A_267 = vector.broadcast %eq3A_266 : i32 to vector<1024x1xi32>
    %eq3A_268 = arith.cmpi eq, %broadcast_in_dim3A_257, %eq3A_267 : vector<1024x1xi32>
    %convert_element_type3A_269 = arith.extui %eq3A_268 : vector<1024x1xi1> to vector<1024x1xi32>
    %add3A_270 = arith.addi %add3A_198, %convert_element_type3A_269 : vector<1024x1xi32>
    %eq3A_271 = arith.constant 2 : i32
    %eq3A_272 = vector.broadcast %eq3A_271 : i32 to vector<1024x1xi32>
    %eq3A_273 = arith.cmpi eq, %broadcast_in_dim3A_257, %eq3A_272 : vector<1024x1xi32>
    %convert_element_type3A_274 = arith.extui %eq3A_273 : vector<1024x1xi1> to vector<1024x1xi32>
    %add3A_275 = arith.addi %add3A_203, %convert_element_type3A_274 : vector<1024x1xi32>
    %eq3A_276 = arith.constant 3 : i32
    %eq3A_277 = vector.broadcast %eq3A_276 : i32 to vector<1024x1xi32>
    %eq3A_278 = arith.cmpi eq, %broadcast_in_dim3A_257, %eq3A_277 : vector<1024x1xi32>
    %convert_element_type3A_279 = arith.extui %eq3A_278 : vector<1024x1xi1> to vector<1024x1xi32>
    %add3A_280 = arith.addi %add3A_208, %convert_element_type3A_279 : vector<1024x1xi32>
    %eq3A_281 = arith.constant 4 : i32
    %eq3A_282 = vector.broadcast %eq3A_281 : i32 to vector<1024x1xi32>
    %eq3A_283 = arith.cmpi eq, %broadcast_in_dim3A_257, %eq3A_282 : vector<1024x1xi32>
    %convert_element_type3A_284 = arith.extui %eq3A_283 : vector<1024x1xi1> to vector<1024x1xi32>
    %add3A_285 = arith.addi %add3A_213, %convert_element_type3A_284 : vector<1024x1xi32>
    %eq3A_286 = arith.constant 5 : i32
    %eq3A_287 = vector.broadcast %eq3A_286 : i32 to vector<1024x1xi32>
    %eq3A_288 = arith.cmpi eq, %broadcast_in_dim3A_257, %eq3A_287 : vector<1024x1xi32>
    %convert_element_type3A_289 = arith.extui %eq3A_288 : vector<1024x1xi1> to vector<1024x1xi32>
    %add3A_290 = arith.addi %add3A_218, %convert_element_type3A_289 : vector<1024x1xi32>
    %eq3A_291 = arith.constant 6 : i32
    %eq3A_292 = vector.broadcast %eq3A_291 : i32 to vector<1024x1xi32>
    %eq3A_293 = arith.cmpi eq, %broadcast_in_dim3A_257, %eq3A_292 : vector<1024x1xi32>
    %convert_element_type3A_294 = arith.extui %eq3A_293 : vector<1024x1xi1> to vector<1024x1xi32>
    %add3A_295 = arith.addi %add3A_223, %convert_element_type3A_294 : vector<1024x1xi32>
    %eq3A_296 = arith.constant 7 : i32
    %eq3A_297 = vector.broadcast %eq3A_296 : i32 to vector<1024x1xi32>
    %eq3A_298 = arith.cmpi eq, %broadcast_in_dim3A_257, %eq3A_297 : vector<1024x1xi32>
    %convert_element_type3A_299 = arith.extui %eq3A_298 : vector<1024x1xi1> to vector<1024x1xi32>
    %add3A_300 = arith.addi %add3A_228, %convert_element_type3A_299 : vector<1024x1xi32>
    %eq3A_301 = arith.constant 8 : i32
    %eq3A_302 = vector.broadcast %eq3A_301 : i32 to vector<1024x1xi32>
    %eq3A_303 = arith.cmpi eq, %broadcast_in_dim3A_257, %eq3A_302 : vector<1024x1xi32>
    %convert_element_type3A_304 = arith.extui %eq3A_303 : vector<1024x1xi1> to vector<1024x1xi32>
    %add3A_305 = arith.addi %add3A_233, %convert_element_type3A_304 : vector<1024x1xi32>
    %eq3A_306 = arith.constant 9 : i32
    %eq3A_307 = vector.broadcast %eq3A_306 : i32 to vector<1024x1xi32>
    %eq3A_308 = arith.cmpi eq, %broadcast_in_dim3A_257, %eq3A_307 : vector<1024x1xi32>
    %convert_element_type3A_309 = arith.extui %eq3A_308 : vector<1024x1xi1> to vector<1024x1xi32>
    %add3A_310 = arith.addi %add3A_238, %convert_element_type3A_309 : vector<1024x1xi32>
    %reduce_min3A_311 = arith.constant dense<0x7F800000> : vector<1024xf32>
    %reduce_min3A_312 = vector.multi_reduction <minimumf>, %select_n3A_260, %reduce_min3A_311 [1] : vector<1024x1024xf32> to vector<1024xf32>
    %broadcast_in_dim3A_313 = vector.shape_cast %reduce_min3A_312 : vector<1024xf32> to vector<1024x1xf32>
    %eq3A_314 = vector.broadcast %broadcast_in_dim3A_313 : vector<1024x1xf32> to vector<1024x1024xf32>
    %eq3A_315 = arith.cmpf oeq, %select_n3A_260, %eq3A_314 : vector<1024x1024xf32>
    %jit3A_316 = arith.constant 2147483647 : i32
    %broadcast_in_dim3A_317 = vector.broadcast %jit3A_316 : i32 to vector<1024x1024xi32>
    %select_n3A_318 = arith.select %eq3A_315, %get3A_6, %broadcast_in_dim3A_317 : vector<1024x1024xi1>, vector<1024x1024xi32>
    %reduce_min3A_319 = arith.constant dense<2147483647> : vector<1024xi32>
    %reduce_min3A_320 = vector.multi_reduction <minsi>, %select_n3A_318, %reduce_min3A_319 [1] : vector<1024x1024xi32> to vector<1024xi32>
    %broadcast_in_dim3A_321 = vector.shape_cast %reduce_min3A_320 : vector<1024xi32> to vector<1024x1xi32>
    %eq3A_322 = vector.broadcast %broadcast_in_dim3A_321 : vector<1024x1xi32> to vector<1024x1024xi32>
    %eq3A_323 = arith.cmpi eq, %get3A_6, %eq3A_322 : vector<1024x1024xi32>
    %jit3A_324 = arith.constant 2147483647 : i32
    %broadcast_in_dim3A_325 = vector.broadcast %jit3A_324 : i32 to vector<1024x1024xi32>
    %select_n3A_326 = arith.select %eq3A_323, %get3A_9, %broadcast_in_dim3A_325 : vector<1024x1024xi1>, vector<1024x1024xi32>
    %reduce_min3A_327 = arith.constant dense<2147483647> : vector<1024xi32>
    %reduce_min3A_328 = vector.multi_reduction <minsi>, %select_n3A_326, %reduce_min3A_327 [1] : vector<1024x1024xi32> to vector<1024xi32>
    %broadcast_in_dim3A_329 = vector.shape_cast %reduce_min3A_328 : vector<1024xi32> to vector<1024x1xi32>
    %jit3A_330 = arith.constant 3.000000e+38 : f32
    %broadcast_in_dim3A_331 = vector.broadcast %jit3A_330 : f32 to vector<1024x1024xf32>
    %select_n3A_332 = arith.select %eq3A_323, %broadcast_in_dim3A_331, %select_n3A_260 : vector<1024x1024xi1>, vector<1024x1024xf32>
    %eq3A_333 = arith.constant 0 : i32
    %eq3A_334 = vector.broadcast %eq3A_333 : i32 to vector<1024x1xi32>
    %eq3A_335 = arith.cmpi eq, %broadcast_in_dim3A_329, %eq3A_334 : vector<1024x1xi32>
    %convert_element_type3A_336 = arith.extui %eq3A_335 : vector<1024x1xi1> to vector<1024x1xi32>
    %add3A_337 = arith.addi %add3A_265, %convert_element_type3A_336 : vector<1024x1xi32>
    %eq3A_338 = arith.constant 1 : i32
    %eq3A_339 = vector.broadcast %eq3A_338 : i32 to vector<1024x1xi32>
    %eq3A_340 = arith.cmpi eq, %broadcast_in_dim3A_329, %eq3A_339 : vector<1024x1xi32>
    %convert_element_type3A_341 = arith.extui %eq3A_340 : vector<1024x1xi1> to vector<1024x1xi32>
    %add3A_342 = arith.addi %add3A_270, %convert_element_type3A_341 : vector<1024x1xi32>
    %eq3A_343 = arith.constant 2 : i32
    %eq3A_344 = vector.broadcast %eq3A_343 : i32 to vector<1024x1xi32>
    %eq3A_345 = arith.cmpi eq, %broadcast_in_dim3A_329, %eq3A_344 : vector<1024x1xi32>
    %convert_element_type3A_346 = arith.extui %eq3A_345 : vector<1024x1xi1> to vector<1024x1xi32>
    %add3A_347 = arith.addi %add3A_275, %convert_element_type3A_346 : vector<1024x1xi32>
    %eq3A_348 = arith.constant 3 : i32
    %eq3A_349 = vector.broadcast %eq3A_348 : i32 to vector<1024x1xi32>
    %eq3A_350 = arith.cmpi eq, %broadcast_in_dim3A_329, %eq3A_349 : vector<1024x1xi32>
    %convert_element_type3A_351 = arith.extui %eq3A_350 : vector<1024x1xi1> to vector<1024x1xi32>
    %add3A_352 = arith.addi %add3A_280, %convert_element_type3A_351 : vector<1024x1xi32>
    %eq3A_353 = arith.constant 4 : i32
    %eq3A_354 = vector.broadcast %eq3A_353 : i32 to vector<1024x1xi32>
    %eq3A_355 = arith.cmpi eq, %broadcast_in_dim3A_329, %eq3A_354 : vector<1024x1xi32>
    %convert_element_type3A_356 = arith.extui %eq3A_355 : vector<1024x1xi1> to vector<1024x1xi32>
    %add3A_357 = arith.addi %add3A_285, %convert_element_type3A_356 : vector<1024x1xi32>
    %eq3A_358 = arith.constant 5 : i32
    %eq3A_359 = vector.broadcast %eq3A_358 : i32 to vector<1024x1xi32>
    %eq3A_360 = arith.cmpi eq, %broadcast_in_dim3A_329, %eq3A_359 : vector<1024x1xi32>
    %convert_element_type3A_361 = arith.extui %eq3A_360 : vector<1024x1xi1> to vector<1024x1xi32>
    %add3A_362 = arith.addi %add3A_290, %convert_element_type3A_361 : vector<1024x1xi32>
    %eq3A_363 = arith.constant 6 : i32
    %eq3A_364 = vector.broadcast %eq3A_363 : i32 to vector<1024x1xi32>
    %eq3A_365 = arith.cmpi eq, %broadcast_in_dim3A_329, %eq3A_364 : vector<1024x1xi32>
    %convert_element_type3A_366 = arith.extui %eq3A_365 : vector<1024x1xi1> to vector<1024x1xi32>
    %add3A_367 = arith.addi %add3A_295, %convert_element_type3A_366 : vector<1024x1xi32>
    %eq3A_368 = arith.constant 7 : i32
    %eq3A_369 = vector.broadcast %eq3A_368 : i32 to vector<1024x1xi32>
    %eq3A_370 = arith.cmpi eq, %broadcast_in_dim3A_329, %eq3A_369 : vector<1024x1xi32>
    %convert_element_type3A_371 = arith.extui %eq3A_370 : vector<1024x1xi1> to vector<1024x1xi32>
    %add3A_372 = arith.addi %add3A_300, %convert_element_type3A_371 : vector<1024x1xi32>
    %eq3A_373 = arith.constant 8 : i32
    %eq3A_374 = vector.broadcast %eq3A_373 : i32 to vector<1024x1xi32>
    %eq3A_375 = arith.cmpi eq, %broadcast_in_dim3A_329, %eq3A_374 : vector<1024x1xi32>
    %convert_element_type3A_376 = arith.extui %eq3A_375 : vector<1024x1xi1> to vector<1024x1xi32>
    %add3A_377 = arith.addi %add3A_305, %convert_element_type3A_376 : vector<1024x1xi32>
    %eq3A_378 = arith.constant 9 : i32
    %eq3A_379 = vector.broadcast %eq3A_378 : i32 to vector<1024x1xi32>
    %eq3A_380 = arith.cmpi eq, %broadcast_in_dim3A_329, %eq3A_379 : vector<1024x1xi32>
    %convert_element_type3A_381 = arith.extui %eq3A_380 : vector<1024x1xi1> to vector<1024x1xi32>
    %add3A_382 = arith.addi %add3A_310, %convert_element_type3A_381 : vector<1024x1xi32>
    %reduce_min3A_383 = arith.constant dense<0x7F800000> : vector<1024xf32>
    %reduce_min3A_384 = vector.multi_reduction <minimumf>, %select_n3A_332, %reduce_min3A_383 [1] : vector<1024x1024xf32> to vector<1024xf32>
    %broadcast_in_dim3A_385 = vector.shape_cast %reduce_min3A_384 : vector<1024xf32> to vector<1024x1xf32>
    %eq3A_386 = vector.broadcast %broadcast_in_dim3A_385 : vector<1024x1xf32> to vector<1024x1024xf32>
    %eq3A_387 = arith.cmpf oeq, %select_n3A_332, %eq3A_386 : vector<1024x1024xf32>
    %jit3A_388 = arith.constant 2147483647 : i32
    %broadcast_in_dim3A_389 = vector.broadcast %jit3A_388 : i32 to vector<1024x1024xi32>
    %select_n3A_390 = arith.select %eq3A_387, %get3A_6, %broadcast_in_dim3A_389 : vector<1024x1024xi1>, vector<1024x1024xi32>
    %reduce_min3A_391 = arith.constant dense<2147483647> : vector<1024xi32>
    %reduce_min3A_392 = vector.multi_reduction <minsi>, %select_n3A_390, %reduce_min3A_391 [1] : vector<1024x1024xi32> to vector<1024xi32>
    %broadcast_in_dim3A_393 = vector.shape_cast %reduce_min3A_392 : vector<1024xi32> to vector<1024x1xi32>
    %eq3A_394 = vector.broadcast %broadcast_in_dim3A_393 : vector<1024x1xi32> to vector<1024x1024xi32>
    %eq3A_395 = arith.cmpi eq, %get3A_6, %eq3A_394 : vector<1024x1024xi32>
    %jit3A_396 = arith.constant 2147483647 : i32
    %broadcast_in_dim3A_397 = vector.broadcast %jit3A_396 : i32 to vector<1024x1024xi32>
    %select_n3A_398 = arith.select %eq3A_395, %get3A_9, %broadcast_in_dim3A_397 : vector<1024x1024xi1>, vector<1024x1024xi32>
    %reduce_min3A_399 = arith.constant dense<2147483647> : vector<1024xi32>
    %reduce_min3A_400 = vector.multi_reduction <minsi>, %select_n3A_398, %reduce_min3A_399 [1] : vector<1024x1024xi32> to vector<1024xi32>
    %broadcast_in_dim3A_401 = vector.shape_cast %reduce_min3A_400 : vector<1024xi32> to vector<1024x1xi32>
    %jit3A_402 = arith.constant 3.000000e+38 : f32
    %broadcast_in_dim3A_403 = vector.broadcast %jit3A_402 : f32 to vector<1024x1024xf32>
    %select_n3A_404 = arith.select %eq3A_395, %broadcast_in_dim3A_403, %select_n3A_332 : vector<1024x1024xi1>, vector<1024x1024xf32>
    %eq3A_405 = arith.constant 0 : i32
    %eq3A_406 = vector.broadcast %eq3A_405 : i32 to vector<1024x1xi32>
    %eq3A_407 = arith.cmpi eq, %broadcast_in_dim3A_401, %eq3A_406 : vector<1024x1xi32>
    %convert_element_type3A_408 = arith.extui %eq3A_407 : vector<1024x1xi1> to vector<1024x1xi32>
    %add3A_409 = arith.addi %add3A_337, %convert_element_type3A_408 : vector<1024x1xi32>
    %eq3A_410 = arith.constant 1 : i32
    %eq3A_411 = vector.broadcast %eq3A_410 : i32 to vector<1024x1xi32>
    %eq3A_412 = arith.cmpi eq, %broadcast_in_dim3A_401, %eq3A_411 : vector<1024x1xi32>
    %convert_element_type3A_413 = arith.extui %eq3A_412 : vector<1024x1xi1> to vector<1024x1xi32>
    %add3A_414 = arith.addi %add3A_342, %convert_element_type3A_413 : vector<1024x1xi32>
    %eq3A_415 = arith.constant 2 : i32
    %eq3A_416 = vector.broadcast %eq3A_415 : i32 to vector<1024x1xi32>
    %eq3A_417 = arith.cmpi eq, %broadcast_in_dim3A_401, %eq3A_416 : vector<1024x1xi32>
    %convert_element_type3A_418 = arith.extui %eq3A_417 : vector<1024x1xi1> to vector<1024x1xi32>
    %add3A_419 = arith.addi %add3A_347, %convert_element_type3A_418 : vector<1024x1xi32>
    %eq3A_420 = arith.constant 3 : i32
    %eq3A_421 = vector.broadcast %eq3A_420 : i32 to vector<1024x1xi32>
    %eq3A_422 = arith.cmpi eq, %broadcast_in_dim3A_401, %eq3A_421 : vector<1024x1xi32>
    %convert_element_type3A_423 = arith.extui %eq3A_422 : vector<1024x1xi1> to vector<1024x1xi32>
    %add3A_424 = arith.addi %add3A_352, %convert_element_type3A_423 : vector<1024x1xi32>
    %eq3A_425 = arith.constant 4 : i32
    %eq3A_426 = vector.broadcast %eq3A_425 : i32 to vector<1024x1xi32>
    %eq3A_427 = arith.cmpi eq, %broadcast_in_dim3A_401, %eq3A_426 : vector<1024x1xi32>
    %convert_element_type3A_428 = arith.extui %eq3A_427 : vector<1024x1xi1> to vector<1024x1xi32>
    %add3A_429 = arith.addi %add3A_357, %convert_element_type3A_428 : vector<1024x1xi32>
    %eq3A_430 = arith.constant 5 : i32
    %eq3A_431 = vector.broadcast %eq3A_430 : i32 to vector<1024x1xi32>
    %eq3A_432 = arith.cmpi eq, %broadcast_in_dim3A_401, %eq3A_431 : vector<1024x1xi32>
    %convert_element_type3A_433 = arith.extui %eq3A_432 : vector<1024x1xi1> to vector<1024x1xi32>
    %add3A_434 = arith.addi %add3A_362, %convert_element_type3A_433 : vector<1024x1xi32>
    %eq3A_435 = arith.constant 6 : i32
    %eq3A_436 = vector.broadcast %eq3A_435 : i32 to vector<1024x1xi32>
    %eq3A_437 = arith.cmpi eq, %broadcast_in_dim3A_401, %eq3A_436 : vector<1024x1xi32>
    %convert_element_type3A_438 = arith.extui %eq3A_437 : vector<1024x1xi1> to vector<1024x1xi32>
    %add3A_439 = arith.addi %add3A_367, %convert_element_type3A_438 : vector<1024x1xi32>
    %eq3A_440 = arith.constant 7 : i32
    %eq3A_441 = vector.broadcast %eq3A_440 : i32 to vector<1024x1xi32>
    %eq3A_442 = arith.cmpi eq, %broadcast_in_dim3A_401, %eq3A_441 : vector<1024x1xi32>
    %convert_element_type3A_443 = arith.extui %eq3A_442 : vector<1024x1xi1> to vector<1024x1xi32>
    %add3A_444 = arith.addi %add3A_372, %convert_element_type3A_443 : vector<1024x1xi32>
    %eq3A_445 = arith.constant 8 : i32
    %eq3A_446 = vector.broadcast %eq3A_445 : i32 to vector<1024x1xi32>
    %eq3A_447 = arith.cmpi eq, %broadcast_in_dim3A_401, %eq3A_446 : vector<1024x1xi32>
    %convert_element_type3A_448 = arith.extui %eq3A_447 : vector<1024x1xi1> to vector<1024x1xi32>
    %add3A_449 = arith.addi %add3A_377, %convert_element_type3A_448 : vector<1024x1xi32>
    %eq3A_450 = arith.constant 9 : i32
    %eq3A_451 = vector.broadcast %eq3A_450 : i32 to vector<1024x1xi32>
    %eq3A_452 = arith.cmpi eq, %broadcast_in_dim3A_401, %eq3A_451 : vector<1024x1xi32>
    %convert_element_type3A_453 = arith.extui %eq3A_452 : vector<1024x1xi1> to vector<1024x1xi32>
    %add3A_454 = arith.addi %add3A_382, %convert_element_type3A_453 : vector<1024x1xi32>
    %reduce_min3A_455 = arith.constant dense<0x7F800000> : vector<1024xf32>
    %reduce_min3A_456 = vector.multi_reduction <minimumf>, %select_n3A_404, %reduce_min3A_455 [1] : vector<1024x1024xf32> to vector<1024xf32>
    %broadcast_in_dim3A_457 = vector.shape_cast %reduce_min3A_456 : vector<1024xf32> to vector<1024x1xf32>
    %eq3A_458 = vector.broadcast %broadcast_in_dim3A_457 : vector<1024x1xf32> to vector<1024x1024xf32>
    %eq3A_459 = arith.cmpf oeq, %select_n3A_404, %eq3A_458 : vector<1024x1024xf32>
    %jit3A_460 = arith.constant 2147483647 : i32
    %broadcast_in_dim3A_461 = vector.broadcast %jit3A_460 : i32 to vector<1024x1024xi32>
    %select_n3A_462 = arith.select %eq3A_459, %get3A_6, %broadcast_in_dim3A_461 : vector<1024x1024xi1>, vector<1024x1024xi32>
    %reduce_min3A_463 = arith.constant dense<2147483647> : vector<1024xi32>
    %reduce_min3A_464 = vector.multi_reduction <minsi>, %select_n3A_462, %reduce_min3A_463 [1] : vector<1024x1024xi32> to vector<1024xi32>
    %broadcast_in_dim3A_465 = vector.shape_cast %reduce_min3A_464 : vector<1024xi32> to vector<1024x1xi32>
    %eq3A_466 = vector.broadcast %broadcast_in_dim3A_465 : vector<1024x1xi32> to vector<1024x1024xi32>
    %eq3A_467 = arith.cmpi eq, %get3A_6, %eq3A_466 : vector<1024x1024xi32>
    %jit3A_468 = arith.constant 2147483647 : i32
    %broadcast_in_dim3A_469 = vector.broadcast %jit3A_468 : i32 to vector<1024x1024xi32>
    %select_n3A_470 = arith.select %eq3A_467, %get3A_9, %broadcast_in_dim3A_469 : vector<1024x1024xi1>, vector<1024x1024xi32>
    %reduce_min3A_471 = arith.constant dense<2147483647> : vector<1024xi32>
    %reduce_min3A_472 = vector.multi_reduction <minsi>, %select_n3A_470, %reduce_min3A_471 [1] : vector<1024x1024xi32> to vector<1024xi32>
    %broadcast_in_dim3A_473 = vector.shape_cast %reduce_min3A_472 : vector<1024xi32> to vector<1024x1xi32>
    %jit3A_474 = arith.constant 3.000000e+38 : f32
    %broadcast_in_dim3A_475 = vector.broadcast %jit3A_474 : f32 to vector<1024x1024xf32>
    %select_n3A_476 = arith.select %eq3A_467, %broadcast_in_dim3A_475, %select_n3A_404 : vector<1024x1024xi1>, vector<1024x1024xf32>
    %eq3A_477 = arith.constant 0 : i32
    %eq3A_478 = vector.broadcast %eq3A_477 : i32 to vector<1024x1xi32>
    %eq3A_479 = arith.cmpi eq, %broadcast_in_dim3A_473, %eq3A_478 : vector<1024x1xi32>
    %convert_element_type3A_480 = arith.extui %eq3A_479 : vector<1024x1xi1> to vector<1024x1xi32>
    %add3A_481 = arith.addi %add3A_409, %convert_element_type3A_480 : vector<1024x1xi32>
    %eq3A_482 = arith.constant 1 : i32
    %eq3A_483 = vector.broadcast %eq3A_482 : i32 to vector<1024x1xi32>
    %eq3A_484 = arith.cmpi eq, %broadcast_in_dim3A_473, %eq3A_483 : vector<1024x1xi32>
    %convert_element_type3A_485 = arith.extui %eq3A_484 : vector<1024x1xi1> to vector<1024x1xi32>
    %add3A_486 = arith.addi %add3A_414, %convert_element_type3A_485 : vector<1024x1xi32>
    %eq3A_487 = arith.constant 2 : i32
    %eq3A_488 = vector.broadcast %eq3A_487 : i32 to vector<1024x1xi32>
    %eq3A_489 = arith.cmpi eq, %broadcast_in_dim3A_473, %eq3A_488 : vector<1024x1xi32>
    %convert_element_type3A_490 = arith.extui %eq3A_489 : vector<1024x1xi1> to vector<1024x1xi32>
    %add3A_491 = arith.addi %add3A_419, %convert_element_type3A_490 : vector<1024x1xi32>
    %eq3A_492 = arith.constant 3 : i32
    %eq3A_493 = vector.broadcast %eq3A_492 : i32 to vector<1024x1xi32>
    %eq3A_494 = arith.cmpi eq, %broadcast_in_dim3A_473, %eq3A_493 : vector<1024x1xi32>
    %convert_element_type3A_495 = arith.extui %eq3A_494 : vector<1024x1xi1> to vector<1024x1xi32>
    %add3A_496 = arith.addi %add3A_424, %convert_element_type3A_495 : vector<1024x1xi32>
    %eq3A_497 = arith.constant 4 : i32
    %eq3A_498 = vector.broadcast %eq3A_497 : i32 to vector<1024x1xi32>
    %eq3A_499 = arith.cmpi eq, %broadcast_in_dim3A_473, %eq3A_498 : vector<1024x1xi32>
    %convert_element_type3A_500 = arith.extui %eq3A_499 : vector<1024x1xi1> to vector<1024x1xi32>
    %add3A_501 = arith.addi %add3A_429, %convert_element_type3A_500 : vector<1024x1xi32>
    %eq3A_502 = arith.constant 5 : i32
    %eq3A_503 = vector.broadcast %eq3A_502 : i32 to vector<1024x1xi32>
    %eq3A_504 = arith.cmpi eq, %broadcast_in_dim3A_473, %eq3A_503 : vector<1024x1xi32>
    %convert_element_type3A_505 = arith.extui %eq3A_504 : vector<1024x1xi1> to vector<1024x1xi32>
    %add3A_506 = arith.addi %add3A_434, %convert_element_type3A_505 : vector<1024x1xi32>
    %eq3A_507 = arith.constant 6 : i32
    %eq3A_508 = vector.broadcast %eq3A_507 : i32 to vector<1024x1xi32>
    %eq3A_509 = arith.cmpi eq, %broadcast_in_dim3A_473, %eq3A_508 : vector<1024x1xi32>
    %convert_element_type3A_510 = arith.extui %eq3A_509 : vector<1024x1xi1> to vector<1024x1xi32>
    %add3A_511 = arith.addi %add3A_439, %convert_element_type3A_510 : vector<1024x1xi32>
    %eq3A_512 = arith.constant 7 : i32
    %eq3A_513 = vector.broadcast %eq3A_512 : i32 to vector<1024x1xi32>
    %eq3A_514 = arith.cmpi eq, %broadcast_in_dim3A_473, %eq3A_513 : vector<1024x1xi32>
    %convert_element_type3A_515 = arith.extui %eq3A_514 : vector<1024x1xi1> to vector<1024x1xi32>
    %add3A_516 = arith.addi %add3A_444, %convert_element_type3A_515 : vector<1024x1xi32>
    %eq3A_517 = arith.constant 8 : i32
    %eq3A_518 = vector.broadcast %eq3A_517 : i32 to vector<1024x1xi32>
    %eq3A_519 = arith.cmpi eq, %broadcast_in_dim3A_473, %eq3A_518 : vector<1024x1xi32>
    %convert_element_type3A_520 = arith.extui %eq3A_519 : vector<1024x1xi1> to vector<1024x1xi32>
    %add3A_521 = arith.addi %add3A_449, %convert_element_type3A_520 : vector<1024x1xi32>
    %eq3A_522 = arith.constant 9 : i32
    %eq3A_523 = vector.broadcast %eq3A_522 : i32 to vector<1024x1xi32>
    %eq3A_524 = arith.cmpi eq, %broadcast_in_dim3A_473, %eq3A_523 : vector<1024x1xi32>
    %convert_element_type3A_525 = arith.extui %eq3A_524 : vector<1024x1xi1> to vector<1024x1xi32>
    %add3A_526 = arith.addi %add3A_454, %convert_element_type3A_525 : vector<1024x1xi32>
    %reduce_min3A_527 = arith.constant dense<0x7F800000> : vector<1024xf32>
    %reduce_min3A_528 = vector.multi_reduction <minimumf>, %select_n3A_476, %reduce_min3A_527 [1] : vector<1024x1024xf32> to vector<1024xf32>
    %broadcast_in_dim3A_529 = vector.shape_cast %reduce_min3A_528 : vector<1024xf32> to vector<1024x1xf32>
    %eq3A_530 = vector.broadcast %broadcast_in_dim3A_529 : vector<1024x1xf32> to vector<1024x1024xf32>
    %eq3A_531 = arith.cmpf oeq, %select_n3A_476, %eq3A_530 : vector<1024x1024xf32>
    %jit3A_532 = arith.constant 2147483647 : i32
    %broadcast_in_dim3A_533 = vector.broadcast %jit3A_532 : i32 to vector<1024x1024xi32>
    %select_n3A_534 = arith.select %eq3A_531, %get3A_6, %broadcast_in_dim3A_533 : vector<1024x1024xi1>, vector<1024x1024xi32>
    %reduce_min3A_535 = arith.constant dense<2147483647> : vector<1024xi32>
    %reduce_min3A_536 = vector.multi_reduction <minsi>, %select_n3A_534, %reduce_min3A_535 [1] : vector<1024x1024xi32> to vector<1024xi32>
    %broadcast_in_dim3A_537 = vector.shape_cast %reduce_min3A_536 : vector<1024xi32> to vector<1024x1xi32>
    %eq3A_538 = vector.broadcast %broadcast_in_dim3A_537 : vector<1024x1xi32> to vector<1024x1024xi32>
    %eq3A_539 = arith.cmpi eq, %get3A_6, %eq3A_538 : vector<1024x1024xi32>
    %jit3A_540 = arith.constant 2147483647 : i32
    %broadcast_in_dim3A_541 = vector.broadcast %jit3A_540 : i32 to vector<1024x1024xi32>
    %select_n3A_542 = arith.select %eq3A_539, %get3A_9, %broadcast_in_dim3A_541 : vector<1024x1024xi1>, vector<1024x1024xi32>
    %reduce_min3A_543 = arith.constant dense<2147483647> : vector<1024xi32>
    %reduce_min3A_544 = vector.multi_reduction <minsi>, %select_n3A_542, %reduce_min3A_543 [1] : vector<1024x1024xi32> to vector<1024xi32>
    %broadcast_in_dim3A_545 = vector.shape_cast %reduce_min3A_544 : vector<1024xi32> to vector<1024x1xi32>
    %eq3A_546 = arith.constant 0 : i32
    %eq3A_547 = vector.broadcast %eq3A_546 : i32 to vector<1024x1xi32>
    %eq3A_548 = arith.cmpi eq, %broadcast_in_dim3A_545, %eq3A_547 : vector<1024x1xi32>
    %convert_element_type3A_549 = arith.extui %eq3A_548 : vector<1024x1xi1> to vector<1024x1xi32>
    %add3A_550 = arith.addi %add3A_481, %convert_element_type3A_549 : vector<1024x1xi32>
    %eq3A_551 = arith.constant 1 : i32
    %eq3A_552 = vector.broadcast %eq3A_551 : i32 to vector<1024x1xi32>
    %eq3A_553 = arith.cmpi eq, %broadcast_in_dim3A_545, %eq3A_552 : vector<1024x1xi32>
    %convert_element_type3A_554 = arith.extui %eq3A_553 : vector<1024x1xi1> to vector<1024x1xi32>
    %add3A_555 = arith.addi %add3A_486, %convert_element_type3A_554 : vector<1024x1xi32>
    %eq3A_556 = arith.constant 2 : i32
    %eq3A_557 = vector.broadcast %eq3A_556 : i32 to vector<1024x1xi32>
    %eq3A_558 = arith.cmpi eq, %broadcast_in_dim3A_545, %eq3A_557 : vector<1024x1xi32>
    %convert_element_type3A_559 = arith.extui %eq3A_558 : vector<1024x1xi1> to vector<1024x1xi32>
    %add3A_560 = arith.addi %add3A_491, %convert_element_type3A_559 : vector<1024x1xi32>
    %eq3A_561 = arith.constant 3 : i32
    %eq3A_562 = vector.broadcast %eq3A_561 : i32 to vector<1024x1xi32>
    %eq3A_563 = arith.cmpi eq, %broadcast_in_dim3A_545, %eq3A_562 : vector<1024x1xi32>
    %convert_element_type3A_564 = arith.extui %eq3A_563 : vector<1024x1xi1> to vector<1024x1xi32>
    %add3A_565 = arith.addi %add3A_496, %convert_element_type3A_564 : vector<1024x1xi32>
    %eq3A_566 = arith.constant 4 : i32
    %eq3A_567 = vector.broadcast %eq3A_566 : i32 to vector<1024x1xi32>
    %eq3A_568 = arith.cmpi eq, %broadcast_in_dim3A_545, %eq3A_567 : vector<1024x1xi32>
    %convert_element_type3A_569 = arith.extui %eq3A_568 : vector<1024x1xi1> to vector<1024x1xi32>
    %add3A_570 = arith.addi %add3A_501, %convert_element_type3A_569 : vector<1024x1xi32>
    %eq3A_571 = arith.constant 5 : i32
    %eq3A_572 = vector.broadcast %eq3A_571 : i32 to vector<1024x1xi32>
    %eq3A_573 = arith.cmpi eq, %broadcast_in_dim3A_545, %eq3A_572 : vector<1024x1xi32>
    %convert_element_type3A_574 = arith.extui %eq3A_573 : vector<1024x1xi1> to vector<1024x1xi32>
    %add3A_575 = arith.addi %add3A_506, %convert_element_type3A_574 : vector<1024x1xi32>
    %eq3A_576 = arith.constant 6 : i32
    %eq3A_577 = vector.broadcast %eq3A_576 : i32 to vector<1024x1xi32>
    %eq3A_578 = arith.cmpi eq, %broadcast_in_dim3A_545, %eq3A_577 : vector<1024x1xi32>
    %convert_element_type3A_579 = arith.extui %eq3A_578 : vector<1024x1xi1> to vector<1024x1xi32>
    %add3A_580 = arith.addi %add3A_511, %convert_element_type3A_579 : vector<1024x1xi32>
    %eq3A_581 = arith.constant 7 : i32
    %eq3A_582 = vector.broadcast %eq3A_581 : i32 to vector<1024x1xi32>
    %eq3A_583 = arith.cmpi eq, %broadcast_in_dim3A_545, %eq3A_582 : vector<1024x1xi32>
    %convert_element_type3A_584 = arith.extui %eq3A_583 : vector<1024x1xi1> to vector<1024x1xi32>
    %add3A_585 = arith.addi %add3A_516, %convert_element_type3A_584 : vector<1024x1xi32>
    %eq3A_586 = arith.constant 8 : i32
    %eq3A_587 = vector.broadcast %eq3A_586 : i32 to vector<1024x1xi32>
    %eq3A_588 = arith.cmpi eq, %broadcast_in_dim3A_545, %eq3A_587 : vector<1024x1xi32>
    %convert_element_type3A_589 = arith.extui %eq3A_588 : vector<1024x1xi1> to vector<1024x1xi32>
    %add3A_590 = arith.addi %add3A_521, %convert_element_type3A_589 : vector<1024x1xi32>
    %eq3A_591 = arith.constant 9 : i32
    %eq3A_592 = vector.broadcast %eq3A_591 : i32 to vector<1024x1xi32>
    %eq3A_593 = arith.cmpi eq, %broadcast_in_dim3A_545, %eq3A_592 : vector<1024x1xi32>
    %convert_element_type3A_594 = arith.extui %eq3A_593 : vector<1024x1xi1> to vector<1024x1xi32>
    %add3A_595 = arith.addi %add3A_526, %convert_element_type3A_594 : vector<1024x1xi32>
    %broadcast_in_dim3A_596 = arith.constant 0 : i32
    %broadcast_in_dim3A_597 = vector.broadcast %broadcast_in_dim3A_596 : i32 to vector<1024x1xi32>
    %broadcast_in_dim3A_598 = arith.constant -1 : i32
    %broadcast_in_dim3A_599 = vector.broadcast %broadcast_in_dim3A_598 : i32 to vector<1024x1xi32>
    %ge3A = arith.cmpi sge, %add3A_550, %broadcast_in_dim3A_599 : vector<1024x1xi32>
    %jit3A_600 = arith.constant 0 : i32
    %broadcast_in_dim3A_601 = vector.broadcast %jit3A_600 : i32 to vector<1024x1xi32>
    %select_n3A_602 = arith.select %ge3A, %broadcast_in_dim3A_601, %broadcast_in_dim3A_597 : vector<1024x1xi1>, vector<1024x1xi32>
    %select_n3A_603 = arith.select %ge3A, %add3A_550, %broadcast_in_dim3A_599 : vector<1024x1xi1>, vector<1024x1xi32>
    %ge3A_604 = arith.cmpi sge, %add3A_555, %select_n3A_603 : vector<1024x1xi32>
    %jit3A_605 = arith.constant 1 : i32
    %broadcast_in_dim3A_606 = vector.broadcast %jit3A_605 : i32 to vector<1024x1xi32>
    %select_n3A_607 = arith.select %ge3A_604, %broadcast_in_dim3A_606, %select_n3A_602 : vector<1024x1xi1>, vector<1024x1xi32>
    %select_n3A_608 = arith.select %ge3A_604, %add3A_555, %select_n3A_603 : vector<1024x1xi1>, vector<1024x1xi32>
    %ge3A_609 = arith.cmpi sge, %add3A_560, %select_n3A_608 : vector<1024x1xi32>
    %jit3A_610 = arith.constant 2 : i32
    %broadcast_in_dim3A_611 = vector.broadcast %jit3A_610 : i32 to vector<1024x1xi32>
    %select_n3A_612 = arith.select %ge3A_609, %broadcast_in_dim3A_611, %select_n3A_607 : vector<1024x1xi1>, vector<1024x1xi32>
    %select_n3A_613 = arith.select %ge3A_609, %add3A_560, %select_n3A_608 : vector<1024x1xi1>, vector<1024x1xi32>
    %ge3A_614 = arith.cmpi sge, %add3A_565, %select_n3A_613 : vector<1024x1xi32>
    %jit3A_615 = arith.constant 3 : i32
    %broadcast_in_dim3A_616 = vector.broadcast %jit3A_615 : i32 to vector<1024x1xi32>
    %select_n3A_617 = arith.select %ge3A_614, %broadcast_in_dim3A_616, %select_n3A_612 : vector<1024x1xi1>, vector<1024x1xi32>
    %select_n3A_618 = arith.select %ge3A_614, %add3A_565, %select_n3A_613 : vector<1024x1xi1>, vector<1024x1xi32>
    %ge3A_619 = arith.cmpi sge, %add3A_570, %select_n3A_618 : vector<1024x1xi32>
    %jit3A_620 = arith.constant 4 : i32
    %broadcast_in_dim3A_621 = vector.broadcast %jit3A_620 : i32 to vector<1024x1xi32>
    %select_n3A_622 = arith.select %ge3A_619, %broadcast_in_dim3A_621, %select_n3A_617 : vector<1024x1xi1>, vector<1024x1xi32>
    %select_n3A_623 = arith.select %ge3A_619, %add3A_570, %select_n3A_618 : vector<1024x1xi1>, vector<1024x1xi32>
    %ge3A_624 = arith.cmpi sge, %add3A_575, %select_n3A_623 : vector<1024x1xi32>
    %jit3A_625 = arith.constant 5 : i32
    %broadcast_in_dim3A_626 = vector.broadcast %jit3A_625 : i32 to vector<1024x1xi32>
    %select_n3A_627 = arith.select %ge3A_624, %broadcast_in_dim3A_626, %select_n3A_622 : vector<1024x1xi1>, vector<1024x1xi32>
    %select_n3A_628 = arith.select %ge3A_624, %add3A_575, %select_n3A_623 : vector<1024x1xi1>, vector<1024x1xi32>
    %ge3A_629 = arith.cmpi sge, %add3A_580, %select_n3A_628 : vector<1024x1xi32>
    %jit3A_630 = arith.constant 6 : i32
    %broadcast_in_dim3A_631 = vector.broadcast %jit3A_630 : i32 to vector<1024x1xi32>
    %select_n3A_632 = arith.select %ge3A_629, %broadcast_in_dim3A_631, %select_n3A_627 : vector<1024x1xi1>, vector<1024x1xi32>
    %select_n3A_633 = arith.select %ge3A_629, %add3A_580, %select_n3A_628 : vector<1024x1xi1>, vector<1024x1xi32>
    %ge3A_634 = arith.cmpi sge, %add3A_585, %select_n3A_633 : vector<1024x1xi32>
    %jit3A_635 = arith.constant 7 : i32
    %broadcast_in_dim3A_636 = vector.broadcast %jit3A_635 : i32 to vector<1024x1xi32>
    %select_n3A_637 = arith.select %ge3A_634, %broadcast_in_dim3A_636, %select_n3A_632 : vector<1024x1xi1>, vector<1024x1xi32>
    %select_n3A_638 = arith.select %ge3A_634, %add3A_585, %select_n3A_633 : vector<1024x1xi1>, vector<1024x1xi32>
    %ge3A_639 = arith.cmpi sge, %add3A_590, %select_n3A_638 : vector<1024x1xi32>
    %jit3A_640 = arith.constant 8 : i32
    %broadcast_in_dim3A_641 = vector.broadcast %jit3A_640 : i32 to vector<1024x1xi32>
    %select_n3A_642 = arith.select %ge3A_639, %broadcast_in_dim3A_641, %select_n3A_637 : vector<1024x1xi1>, vector<1024x1xi32>
    %select_n3A_643 = arith.select %ge3A_639, %add3A_590, %select_n3A_638 : vector<1024x1xi1>, vector<1024x1xi32>
    %ge3A_644 = arith.cmpi sge, %add3A_595, %select_n3A_643 : vector<1024x1xi32>
    %jit3A_645 = arith.constant 9 : i32
    %broadcast_in_dim3A_646 = vector.broadcast %jit3A_645 : i32 to vector<1024x1xi32>
    %select_n3A_647 = arith.select %ge3A_644, %broadcast_in_dim3A_646, %select_n3A_642 : vector<1024x1xi1>, vector<1024x1xi32>
    %swap3A = arith.constant 0 : index
    %swap3A_648 = arith.constant 0 : index
    %swap3A_649 = vector.load %arg3[%swap3A, %swap3A_648] : memref<1024x1xi32, #tpu.memory_space<vmem>>, vector<1024x1xi32>
    tpu.vector_store %arg3[%swap3A, %swap3A_648], %select_n3A_647 {strides = array<i32>} : memref<1024x1xi32, #tpu.memory_space<vmem>>, vector<1024x1xi32>,
    return
  }
}

</mosaic_0001>

<sc_bundles>
// kernel: kernel.7.cloned.1.call-start
scs
__scs_entry_jumppad:
0x0: {  	(pc) =	sbr.rel $0x88, $3  }
0x1: {  	(tag) =	ssettag $0x0;
	lr =	simm.s32 $0x1  }
0x2: {  	[smem:$0x3F9E] =	sst lr;
	_ =	strace $0xD0000000  }
0x3: {  	_ = 	snop  }
0x4: {  	_ = 	snop  }
0x5: {  	_ = 	snop  }
0x6: {  	_ = 	snop  }
0x7: {  	_ = 	snop  }
__scs_overlays_trampoline_lowered:
0x8: {  	[smem:$0x3FAD] =	sst s0  }
0x9: {  	[smem:$0x3FAE] =	sst s1  }
0xa: {  	[smem:$0x3FAF] =	sst s2  }
0xb: {  	[smem:$0x3FB0] =	sst s3  }
0xc: {  	[smem:$0x3FB1] =	sst s4  }
0xd: {  	[smem:$0x3FB2] =	sst s5  }
0xe: {  	[smem:$0x3FB3] =	sst s6  }
0xf: {  	[smem:$0x3FB4] =	sst s7  }
0x10: {  	[smem:$0x3FB5] =	sst s8  }
0x11: {  	[smem:$0x3FB6] =	sst s9;
	s0 =	simm.s32 @!p0 $0x0  }
0x12: {  	s1 =	sld [smem:$0x3F9C];
	s0 =	simm.s32 @p0 $0x1  }
0x13: {  	[smem:$0x3FB7] =	sst s0;
	s0 =	simm.s32 @!p1 $0x0  }
0x14: {  	s2 =	sld [smem:$0x3F9B];
	s0 =	simm.s32 @p1 $0x1  }
0x15: {  	[smem:$0x3FB8] =	sst s0;
	s0 =	simm.s32 @!p2 $0x0  }
0x16: {  	s3 =	sld [smem:$0x3FDB];
	s0 =	simm.s32 @p2 $0x1  }
0x17: {  	s4 =	simm.s32 $0x1BF5;
	[smem:$0x3FBA] =	sst s0  }
0x18: {  	s0 =	sld [smem:$0x3F9D];
	_ =	swait.ge [sflag:s4], $0x0  }
0x19: {  	s7 =	sld [smem:$0x3F9E]  }
0x1a: {  	s8 =	sadd.s32 $0xFFFFE003, lr  }
0x1b: {  	s9 =	sadd.s32 $0xFFFFFEF7, lr;
	s5 =	simm.s32 $0xFFFFFFFF;
	p2 =	slt.u32 s8, $0xFFFFF086  }
0x1c: {  	p1 =	slt.u32 s9, $0xF7A;
	s5 =	simm.s32 @!p2 $0x0  }
0x1d: {  	s5 =	simm.s32 @p1 $0x1;
	p0 =	seq.s32 s7, s2  }
0x1e: {  	s7 =	smul.u32 @!p0 $0xF7A, s2;
	p2 =	seq.s32 @!p0 s5, $0x0  }
0x1f: {  	s9 =	smul.u32 $0xF7A, s1;
	s8 =	simm.s32 @!p0 $0x1BF5;
	p2 =	por !p2, p0  }
0x20: {  	[sflag:s8] =	ssyncset.s32 @!p0 $0xFFFFF086;
	s6 =	sadd.s32 @!p0 s3, s7;
	s7 =	simm.s32 @!p0 $0x108  }
0x21: {  	s3 =	sadd.s32 s3, s9;
	s6 =	sadd.s32 @!p0 $0x88, s6;
	s7 =	simm.s32 @p2 $0x1082  }
0x22: {  	[simem:s7], [sflag:s8] =	dma.local @!p0 [hbm:s6], $0xF7A  }
0x23: {  	s9 =	sor.u32 $0xD0000000, s2;
	s6 =	simm.s32 $0x108;
	_ =	swait.ge @!p0 [sflag:s8], $0x0  }
0x24: {  	s3 =	sadd.s32 $0x88, s3;
	s6 =	simm.s32 @!p1 $0x1082;
	[sflag:s4] =	ssyncset.s32 $0xFFFFF086  }
0x25: {  	[simem:s6], [sflag:s4] =	dma.local [hbm:s3], $0xF7A  }
0x26: {  	[smem:$0x3F9E] =	sst s1;
	(tag) =	ssettag s2;
	_ =	strace s9  }
0x27: {  	s1 =	sld [smem:$0x3FAE]  }
0x28: {  	s2 =	sld [smem:$0x3FAF]  }
0x29: {  	s4 =	sld [smem:$0x3FB1]  }
0x2a: {  	p0 =	seq.s32 s5, $0x0;
	s5 =	sld [smem:$0x3FB2]  }
0x2b: {  	s6 =	sld [smem:$0x3FB3]  }
0x2c: {  	s7 =	sld [smem:$0x3FB4]  }
0x2d: {  	s3 =	simm.s32 $0x108;
	s8 =	sld [smem:$0x3FB5]  }
0x2e: {  	s3 =	simm.s32 @!p0 $0x1082;
	s9 =	sld [smem:$0x3FB6]  }
0x2f: {  	lr =	sadd.s32 s0, s3;
	s0 =	sld [smem:$0x3FAD]  }
0x30: {  	s3 =	sld [smem:$0x3FB0]  }
0x31: {  	[smem:$0x3FB9] =	sst s10  }
0x32: {  	s10 =	sld [smem:$0x3FB7];
	_ =	sdelay $0x3  }
0x33: {  	p0 =	seq.s32 s10, $0x1;
	s10 =	sld [smem:$0x3FB9];
	_ =	sdelay $0x3  }
0x34: {  	[smem:$0x3FB9] =	sst s10  }
0x35: {  	s10 =	sld [smem:$0x3FB8];
	_ =	sdelay $0x3  }
0x36: {  	p1 =	seq.s32 s10, $0x1;
	s10 =	sld [smem:$0x3FB9];
	_ =	sdelay $0x3  }
0x37: {  	[smem:$0x3FB9] =	sst s10  }
0x38: {  	s10 =	sld [smem:$0x3FBA]  }
0x39: {  	_ = 	snop;
	(pc) =	sbr.ind lr, $3  }
0x3a: {  	_ = 	snop  }
0x3b: {  	_ = 	snop  }
0x3c: {  	p2 =	seq.s32 s10, $0x1;
	s10 =	sld [smem:$0x3FB9]  }
0x3d: {  	_ =	shalt  }
0x3e: {  	_ =	shalt  }
0x3f: {  	_ =	shalt  }
0x40: {  	_ =	shalt  }
0x41: {  	_ =	shalt  }
0x42: {  	_ =	shalt  }
0x43: {  	_ =	shalt  }
0x44: {  	_ =	shalt  }
0x45: {  	_ =	shalt  }
0x46: {  	_ =	shalt  }
0x47: {  	_ =	shalt  }
0x48: {  	_ =	shalt  }
0x49: {  	_ =	shalt  }
0x4a: {  	_ =	shalt  }
0x4b: {  	_ =	shalt  }
0x4c: {  	_ =	shalt  }
0x4d: {  	_ =	shalt  }
0x4e: {  	_ =	shalt  }
0x4f: {  	_ =	shalt  }
0x50: {  	_ =	shalt  }
0x51: {  	_ =	shalt  }
0x52: {  	_ =	shalt  }
0x53: {  	_ =	shalt  }
0x54: {  	_ =	shalt  }
0x55: {  	_ =	shalt  }
0x56: {  	_ =	shalt  }
0x57: {  	_ =	shalt  }
0x58: {  	_ =	shalt  }
0x59: {  	_ =	shalt  }
0x5a: {  	_ =	shalt  }
0x5b: {  	_ =	shalt  }
0x5c: {  	_ =	shalt  }
0x5d: {  	_ =	shalt  }
0x5e: {  	_ =	shalt  }
0x5f: {  	_ =	shalt  }
0x60: {  	_ =	shalt  }
0x61: {  	_ =	shalt  }
0x62: {  	_ =	shalt  }
0x63: {  	_ =	shalt  }
0x64: {  	_ =	shalt  }
0x65: {  	_ =	shalt  }
0x66: {  	_ =	shalt  }
0x67: {  	_ =	shalt  }
0x68: {  	_ =	shalt  }
0x69: {  	_ =	shalt  }
0x6a: {  	_ =	shalt  }
0x6b: {  	_ =	shalt  }
0x6c: {  	_ =	shalt  }
0x6d: {  	_ =	shalt  }
0x6e: {  	_ =	shalt  }
0x6f: {  	_ =	shalt  }
0x70: {  	_ =	shalt  }
0x71: {  	_ =	shalt  }
0x72: {  	_ =	shalt  }
0x73: {  	_ =	shalt  }
0x74: {  	_ =	shalt  }
0x75: {  	_ =	shalt  }
0x76: {  	_ =	shalt  }
0x77: {  	_ =	shalt  }
0x78: {  	_ =	shalt  }
0x79: {  	_ =	shalt  }
0x7a: {  	_ =	shalt  }
0x7b: {  	_ =	shalt  }
0x7c: {  	_ =	shalt  }
0x7d: {  	_ =	shalt  }
0x7e: {  	_ =	shalt  }
0x7f: {  	_ =	shalt  }
0x80: {  	_ =	shalt  }
0x81: {  	_ =	shalt  }
0x82: {  	_ =	shalt  }
0x83: {  	_ =	shalt  }
0x84: {  	_ =	shalt  }
0x85: {  	_ =	shalt  }
0x86: {  	_ =	shalt  }
0x87: {  	_ =	shalt  }
.Lfunc_end0:
.L_simem_size_0:
called_computation_lowered:
.L_overlay_start_0:
0x88: {  	s2 =	sld [smem:$0x3FD9]  }
0x89: {  	s3 =	sld [smem:$0x3FFE];
	_ =	sdelay $0x1  }
0x8a: {  	s1 =	srdreg.scid  }
0x8b: {  	s0 =	sand.u32 $0x1, s1  }
0x8c: {  	s16 =	sshll.u32 s0, $0xA;
	s2 =	sadd.s32 s3, s2  }
0x8d: {  	s2 =	sadd.s32 s2, s16  }
0x8e: {  	[smem:$0x3FC5] =	sst s2  }
0x8f: {  	_ = 	snop  }
0x90: {  	(tm) =	ssettm $0x1  }
0x91: {  	s17 =	sld [smem:$0x3FFB];
	_ =	sdelay $0x3  }
0x92: {  	_ =	strace s17  }
0x93: {  	s2 =	sld [smem:$0x3FFC];
	_ =	sdelay $0x3  }
0x94: {  	_ =	strace s2  }
0x95: {  	s2 =	sld [smem:$0x3FFD];
	_ =	sdelay $0x3  }
0x96: {  	_ =	strace s2  }
0x97: {  	_ =	strace $0x8FFFFFFF  }
0x98: {  	s18 =	sld [smem:$0x3FDB];
	_ =	sdelay $0x1  }
0x99: {  	s19 =	simm.s32 $_scs_section_size  }
0x9a: {  	s4 =	simm.s32 $_size__tile_overlayer_lowered;
	s5 =	simm.s32 $_tile_overlayer_lowered  }
0x9b: {  	s22 =	simm.s32 $0x1BFF;
	s21 =	sshll.u32 s5, $0x1;
	s2 =	sadd.s32 s19, s18  }
0x9c: {  	s6 =	simm.s32 $0x0;
	s20 =	sshll.u32 s4, $0x1;
	s4 =	sadd.s32 s21, s2  }
0x9d: {  	[timem:s6], [sflag:s22] =	dma.local [hbm:s4], s20  }
0x9e: {  	_ =	swait.ge [sflag:s22], s20  }
0x9f: {  	s3 =	ssub.s32 $0x0, s20;
	[sflag:s22] =	ssyncset.done $0x0  }
0xa0: {  	[sflag:s22] =	ssyncadd.s32 s3;
	_ =	sdelay $0x1  }
0xa1: {  	s23 =	simm.s32 $0x1B8B  }
0xa2: {  	_ =	swait.ge [sflag:s23], $0x1  }
0xa3: {  	[sflag:s23] =	ssyncset.done $0x0  }
0xa4: {  	s25 =	simm.s32 $0x1B8E;
	s24 =	sld [smem:$0x3FFE];
	[sflag:s23] =	ssyncadd.s32 $0xFFFFFFFF  }
0xa5: {  	s26 =	simm.s32 $execute0_lowered;
	[smem:$0x3FD2] =	sst s25  }
0xa6: {  	s4 =	sshll.u32 s26, $0x1;
	_ =	strace $0x80000046;
	[dreg:$0x1] =	wrdreg $0xFFFFFFFF  }
0xa7: {  	s28 =	simm.s32 $_size_execute0_lowered;
	s2 =	sadd.s32 s2, s4;
	[dreg:$0x0] =	wrdreg $0x0  }
0xa8: {  	s4 =	sshll.u32 s28, $0x1;
	[dreg:$0x2] =	wrdreg s2  }
0xa9: {  	[dreg:$0x3] =	wrdreg s4  }
0xaa: {  	[dreg:$0x4] =	wrdreg $0xC0  }
0xab: {  	_ =	task [dreg:s6], $0x5FFFF  }
0xac: {  	[dreg:$0x1] =	wrdreg $0xFFFFFFFF  }
0xad: {  	[dreg:$0x0] =	wrdreg $0x60  }
0xae: {  	[dreg:$0x2] =	wrdreg s24  }
0xaf: {  	[dreg:$0x3] =	wrdreg $0x9  }
0xb0: {  	_ =	task.clear_ibuf [dreg:s6], $0x4FFFF;
	_ =	strace $0x90000046  }
0xb1: {  	s29 =	simm.s32 $0x9;
	_ =	strace $0x80000048  }
0xb2: {  	_ =	swait.ge [sflag:s29], $0x1  }
0xb3: {  	[sflag:s29] =	ssyncadd.s32 $0xFFFFFFFF  }
0xb4: {  	_ =	strace $0x90000048  }
0xb5: {  	_ =	sfence  }
0xb6: {  	s30 =	sld [smem:$0x0];
	_ =	sdelay $0x2  }
0xb7: {  	s31 =	sshll.u32 s1, $0xD;
	s1 =	sshrl.u32 s1, $0x2  }
0xb8: {  	s3 =	sand.u32 $0x4000, s31;
	s1 =	sadd.s32 s1, s30  }
0xb9: {  	s0 =	sor.u32 s3, s0;
	s1 =	sshll.u32 s1, $0x11  }
0xba: {  	s0 =	sor.u32 s1, s0  }
0xbb: {  	s0 =	sadd.s32 $0x8F2B, s0  }
0xbc: {  	[sflag:s0] =	ssyncadd.remote.s32 $0x1  }
0xbd: {  	_ =	sfence.sel $0xFFFF  }
0xbe: {  	[dreg:$0x0] =	wrdreg $0xFFFFFFFF;
	(pc) =	sbr.abs _section_cstart, $3  }
0xbf: {  	[dreg:$0x1] =	wrdreg $0xFFFFFFFF  }
0xc0: {  	_ =	task.clear_ibuf [dreg:s6], $0x2FFFF;
	_ =	strace $0x9FFFFFFF  }
0xc1: {  	(tm) =	ssettm $0x7FFFFFFF  }
tec
execute0_lowered:
.L_overlay_start_1:
0x0: {  	(tag) =	ssettag $0x1  }
0x1: {  	s1 =	srdreg.scid  }
0x2: {  	s0 =	stileid.u32;
	s13 =	sand.u32 $0x1, s1  }
0x3: {  	s30 =	sshll.u32 s0, $0x9;
	s2 =	sshll.u32 s13, $0x8  }
0x4: {  	s14 =	rddreg [dreg:$0x0];
	s15 =	sor.u32 s2, s30  }
0x5: {  	s1 =	rddreg [dreg:$0x1];
	s2 =	simm.s32 $0x0;
	s3 =	sshrl.u32 s15, $0x3  }
0x6: {  	[smem:$0x7FF] =	sst s2;
	s5 =	sadd.s32 s3, s14  }
0x7: {  	_ =	strace $0x80000047;
	s3 =	simm.s32 $0x3;
	s4 =	sadd.s32 $0x800, s5  }
0x8: {  	[tilespmem:s2], [sflag:$0x3] =	stream.linear.gather [hbm4b:s4+s2], $0x100, $0x38;
	[tilespmem:$0x10200] =	vst v63  }
0x9: {  	_ =	swait.ge [sflag:s3], $0x100  }
0xa: {  	[sflag:s3] =	ssyncset.done $0x0  }
0xb: {  	s6 =	simm.s32 $0x100;
	s5 =	sadd.s32 $0xC00, s5;
	[sflag:s3] =	ssyncadd.s32 $0xFFFFFF00  }
0xc: {  	[tilespmem:s6], [sflag:$0x3] =	stream.linear.gather [hbm4b:s5+s2], $0x100, $0x38;
	[tilespmem:$0x10200] =	vst v63  }
0xd: {  	_ =	swait.ge [sflag:s3], $0x100  }
0xe: {  	[sflag:s3] =	ssyncset.done $0x0  }
0xf: {  	s8 =	simm.s32 $0x200;
	s7 =	sadd.s32 $0xC41000, s14;
	[sflag:s3] =	ssyncadd.s32 $0xFFFFFF00  }
0x10: {  	[tilespmem:s8], [sflag:$0x1] =	stream.indirect.gather [hbm4b:s7+s6], $0x80, s2, s6, $0xb8;
	[tilespmem:$0x10200] =	vst v63  }
0x11: {  	s10 =	simm.s32 $0x8200;
	s11 =	simm.s32 $0x1;
	s9 =	sadd.s32 $0x1000, s14  }
0x12: {  	[tilespmem:s10], [sflag:$0x2] =	stream.indirect.gather [hbm4b:s9+s6], $0x80, s6, s6, $0xb8;
	[tilespmem:$0x10200] =	vst v63  }
0x13: {  	_ =	swait.ge [sflag:s11], $0x8000  }
0x14: {  	[sflag:s11] =	ssyncset.done $0x0  }
0x15: {  	s12 =	simm.s32 $0x2;
	s31 =	ssub.s32 $0x2, s13;
	[sflag:s11] =	ssyncadd.s32 $0xFFFF8000  }
0x16: {  	s16 =	sshrl.u32 s31, $0x1;
	s15 =	sshll.u32 s15, $0x4;
	_ =	swait.ge [sflag:s12], $0x8000  }
0x17: {  	s14 =	sadd.s32 s15, s14;
	s15 =	ssub.s32 s31, s16;
	[sflag:s12] =	ssyncset.done $0x0  }
0x18: {  	s13 =	sadd.s32 $0x4200, s14;
	s15 =	smax.u32 s15, $0x1;
	[sflag:s12] =	ssyncadd.s32 $0xFFFF8000  }
0x19: {  	[hbm4b:s13+s2] =	stream.linear.scatter [tilespmem:s8], [sflag:$0x3], $0x8000, $0x38;
	[tilespmem:$0x10200] =	vst v63  }
0x1a: {  	p0 =	sne.s32 s15, $0x1;
	_ =	swait.ge [sflag:s3], $0x8000  }
.Ltmp0:
0x1b: {  	[sflag:s3] =	ssyncset.done $0x0;
	(pc) =	sbr.rel @!p0 .LBB2_2-.Ltmp0, $4  }
0x1c: {  	s14 =	sadd.s32 $0x24200, s14;
	[sflag:s3] =	ssyncadd.s32 $0xFFFF8000  }
0x1d: {  	[hbm4b:s14+s2] =	stream.linear.scatter [tilespmem:s10], [sflag:$0x3], $0x8000, $0x38;
	[tilespmem:$0x10200] =	vst v63  }
0x1e: {  	_ =	swait.ge [sflag:s3], $0x8000  }
0x1f: {  	s15 =	sadd.s32 $0xFFFFFFFF, s15;
	[sflag:s3] =	ssyncset.done $0x0  }
.LBB2_1:
0x20: {  	p0 =	sne.s32 s15, $0x1;
	s15 =	sadd.s32 $0xFFFFFFFF, s15;
	[sflag:s3] =	ssyncadd.s32 $0xFFFF8000  }
0x21: {  	[tilespmem:s2], [sflag:$0x3] =	stream.linear.gather [hbm4b:s4+s2], $0x100, $0x38;
	[tilespmem:$0x10200] =	vst v63  }
0x22: {  	_ =	swait.ge [sflag:s3], $0x100  }
0x23: {  	[sflag:s3] =	ssyncset.done $0x0  }
0x24: {  	[sflag:s3] =	ssyncadd.s32 $0xFFFFFF00  }
0x25: {  	[tilespmem:s6], [sflag:$0x3] =	stream.linear.gather [hbm4b:s5+s2], $0x100, $0x38;
	[tilespmem:$0x10200] =	vst v63  }
0x26: {  	_ =	swait.ge [sflag:s3], $0x100  }
0x27: {  	[sflag:s3] =	ssyncset.done $0x0  }
0x28: {  	[sflag:s3] =	ssyncadd.s32 $0xFFFFFF00  }
0x29: {  	[tilespmem:s8], [sflag:$0x1] =	stream.indirect.gather [hbm4b:s7+s6], $0x80, s2, s6, $0xb8;
	[tilespmem:$0x10200] =	vst v63  }
0x2a: {  	_ = 	snop  }
0x2b: {  	[tilespmem:s10], [sflag:$0x2] =	stream.indirect.gather [hbm4b:s9+s6], $0x80, s6, s6, $0xb8;
	[tilespmem:$0x10200] =	vst v63  }
0x2c: {  	_ =	swait.ge [sflag:s11], $0x8000  }
0x2d: {  	[sflag:s11] =	ssyncset.done $0x0  }
0x2e: {  	[sflag:s11] =	ssyncadd.s32 $0xFFFF8000  }
0x2f: {  	_ =	swait.ge [sflag:s12], $0x8000  }
0x30: {  	[sflag:s12] =	ssyncset.done $0x0  }
0x31: {  	[sflag:s12] =	ssyncadd.s32 $0xFFFF8000  }
0x32: {  	[hbm4b:s13+s2] =	stream.linear.scatter [tilespmem:s8], [sflag:$0x3], $0x8000, $0x38;
	[tilespmem:$0x10200] =	vst v63  }
0x33: {  	_ =	swait.ge [sflag:s3], $0x8000  }
.Ltmp1:
0x34: {  	[sflag:s3] =	ssyncset.done $0x0;
	(pc) =	sbr.rel @p0 .LBB2_1-.Ltmp1, $4  }
0x35: {  	[sflag:s3] =	ssyncadd.s32 $0xFFFF8000  }
0x36: {  	[hbm4b:s14+s2] =	stream.linear.scatter [tilespmem:s10], [sflag:$0x3], $0x8000, $0x38;
	[tilespmem:$0x10200] =	vst v63  }
0x37: {  	_ =	swait.ge [sflag:s3], $0x8000  }
0x38: {  	[sflag:s3] =	ssyncset.done $0x0  }
.LBB2_2:
0x39: {  	[sflag:s3] =	ssyncadd.s32 $0xFFFF8000  }
0x3a: {  	_ =	sfence.sel $0x180000  }
0x3b: {  	[bflag:$0x0] =	sbarrier.arrive $0xFFFF  }
0x3c: {  	p0 =	sne.s32 s0, $0x0;
	_ =	strace $0x90000047  }
0x3d: {  	s0 =	sadd.s32 @!p0 $0x100000, s1;
	[bflag:$0x2] =	sbarrier.arrive $0xFFFF  }
0x3e: {  	[sflag:s0] =	ssyncadd.tile.s32 @!p0 $0x1;
	_ =	shalt  }
.Lfunc_end2:
_tile_overlayer_lowered:
.L_overlay_start_2:
0x3f: {  	(tag) =	ssettag $0x2  }
0x40: {  	s0 =	rddreg [dreg:$0x0];
	s2 =	stileid.u32  }
0x41: {  	s1 =	rddreg [dreg:$0x1];
	p0 =	sne.s32 s2, $0x0  }
0x42: {  	s3 =	rddreg [dreg:$0x2];
	[bflag:$0x3] =	sbarrier.arrive $0xFFFF;
	s2 =	simm.s32 @!p0 $0x1C03  }
0x43: {  	[timem:s3], [sflag:s2] =	dma.local @!p0 [hbm:s0], s1  }
0x44: {  	s0 =	simm.s32 @!p0 $0x3  }
0x45: {  	_ =	swait.ge @!p0 [sflag:s0], s1  }
0x46: {  	s1 =	ssub.s32 @!p0 $0x0, s1;
	[sflag:s0] =	ssyncset.done @!p0 $0x0  }
0x47: {  	[sflag:s0] =	ssyncadd.s32 @!p0 s1  }
0x48: {  	[bflag:$0x3] =	sbarrier.arrive $0xFFFF  }
0x49: {  	_ =	shalt  }

</sc_bundles>
